<compile_context>
chip_gen: v7x
topology: tpu7x:2x2x1
jax: 0.10.2.dev20260603
libtpu: 0.0.44.dev20260713+nightly
codegen_flags: <defaults>
</compile_context>

<pallas_src>
import functools

import jax
import jax.numpy as jnp
import numpy as np
from jax import lax
from jax.experimental import pallas as pl
from jax.experimental.pallas import tpu as pltpu

B = 32
V = 1000000
K = 64
BC = 16384
LBLK = 128
NT = pl.cdiv(V, BC)
VPAD = NT * BC
NBLK = VPAD // LBLK
MBLK = 128
TROW = 16
NTROWS = B * V // TROW
NCAND = MBLK * LBLK
NEG_INF = np.float32(-np.inf)
IBIG = np.int32(2**30)


def _rotl(x, r):
    return (x << np.uint32(r)) | (x >> np.uint32(32 - r))


def _threefry2x32(k0, k1, x0, x1):
    ks2 = k0 ^ k1 ^ np.uint32(0x1BD11BDA)
    ks = [k0, k1, ks2]
    x0 = x0 + k0
    x1 = x1 + k1
    rotations = [[13, 15, 26, 6], [17, 29, 16, 24]]
    for i in range(5):
        for r in rotations[i % 2]:
            x0 = x0 + x1
            x1 = _rotl(x1, r)
            x1 = x1 ^ x0
        x0 = x0 + ks[(i + 1) % 3]
        x1 = x1 + ks[(i + 2) % 3] + np.uint32(i + 1)
    return x0, x1


_K0, _K1 = (lambda o: (np.uint32(o[0]), np.uint32(o[1])))(
    _threefry2x32(np.uint32(0), np.uint32(0), np.uint32(0), np.uint32(1)))


def _scores_from_cols(cols, probs):
    rows = jax.lax.broadcasted_iota(jnp.uint32, cols.shape, 0)
    j = rows * jnp.uint32(V) + cols.astype(jnp.uint32)
    o0, o1 = _threefry2x32(jnp.uint32(_K0), jnp.uint32(_K1),
                           jnp.zeros_like(j), j)
    bits = o0 ^ o1
    f = jax.lax.bitcast_convert_type(
        (bits >> np.uint32(9)) | np.uint32(0x3F800000), jnp.float32) - 1.0
    minval = jnp.float32(1e-12)
    u = jnp.maximum(minval, f * (jnp.float32(1.0) - minval) + minval)
    return jnp.log(u) / probs


def _blockmax_kernel(probs_ref, out_ref):
    pid = pl.program_id(0)
    p = probs_ref[...]
    cols = jax.lax.broadcasted_iota(jnp.int32, p.shape, 1) + pid * BC
    s = _scores_from_cols(cols, p)
    s = jnp.where(cols < V, s, NEG_INF)
    out_ref[...] = jnp.max(s.reshape(B, BC // LBLK, LBLK), axis=2)


def _topblocks_kernel(bmax_ref, idx16_ref, blk_ref, vals_ref):
    vals_ref[...] = bmax_ref[...]
    blk_ref[...] = jnp.zeros((B, MBLK), jnp.int32)
    coliota = jax.lax.broadcasted_iota(jnp.int32, (B, NBLK), 1)
    slotiota = jax.lax.broadcasted_iota(jnp.int32, (B, MBLK), 1)

    def body(t, _):
        v = vals_ref[...]
        m = jnp.max(v, axis=1, keepdims=True)
        sel = jnp.min(jnp.where(v == m, coliota, IBIG), axis=1, keepdims=True)
        blk_ref[...] = jnp.where(slotiota == t, sel, blk_ref[...])
        vals_ref[...] = jnp.where(coliota == sel, NEG_INF, v)
        return 0

    lax.fori_loop(0, MBLK, body, 0)

    blk = blk_ref[...]
    rows = jax.lax.broadcasted_iota(jnp.int32, (B, MBLK), 0)
    base = rows * (V // TROW) + blk * (LBLK // TROW)
    e = base[:, :, None] + jax.lax.broadcasted_iota(
        jnp.int32, (B, MBLK, LBLK // TROW), 2)
    idx16_ref[...] = jnp.minimum(e.reshape(B, MBLK * (LBLK // TROW)),
                                 jnp.int32(NTROWS - 1))


def _final_topk_kernel(g_ref, blk_ref, out_ref, s_ref, col_ref):
    blk = blk_ref[...]
    cols3 = (blk[:, :, None] * LBLK
             + jax.lax.broadcasted_iota(jnp.int32, (B, MBLK, LBLK), 2))
    cols = cols3.reshape(B, NCAND)
    p = g_ref[...]
    s = _scores_from_cols(cols, p)
    s = jnp.where(cols < V, s, NEG_INF)
    s_ref[...] = s
    col_ref[...] = cols
    out_ref[...] = jnp.zeros((B, K), jnp.int32)
    slotiota = jax.lax.broadcasted_iota(jnp.int32, (B, K), 1)

    def body(t, _):
        v = s_ref[...]
        c = col_ref[...]
        m = jnp.max(v, axis=1, keepdims=True)
        sel = jnp.min(jnp.where(v == m, c, IBIG), axis=1, keepdims=True)
        out_ref[...] = jnp.where(slotiota == t, sel, out_ref[...])
        s_ref[...] = jnp.where(c == sel, NEG_INF, v)
        return 0

    lax.fori_loop(0, K, body, 0)


def kernel(probs):
    bmax = pl.pallas_call(
        _blockmax_kernel,
        grid=(NT,),
        in_specs=[pl.BlockSpec((B, BC), lambda i: (0, i))],
        out_specs=pl.BlockSpec((B, BC // LBLK), lambda i: (0, i)),
        out_shape=jax.ShapeDtypeStruct((B, NBLK), jnp.float32),
    )(probs)

    idx16, blk = pl.pallas_call(
        _topblocks_kernel,
        out_shape=(
            jax.ShapeDtypeStruct((B, MBLK * (LBLK // TROW)), jnp.int32),
            jax.ShapeDtypeStruct((B, MBLK), jnp.int32),
        ),
        scratch_shapes=[pltpu.VMEM((B, NBLK), jnp.float32)],
    )(bmax)

    table = probs.reshape(NTROWS, TROW)
    g = jnp.take(table, idx16.reshape(-1), axis=0,
                 mode="clip").reshape(B, NCAND)

    out = pl.pallas_call(
        _final_topk_kernel,
        out_shape=jax.ShapeDtypeStruct((B, K), jnp.int32),
        scratch_shapes=[
            pltpu.VMEM((B, NCAND), jnp.float32),
            pltpu.VMEM((B, NCAND), jnp.int32),
        ],
    )(g, blk)
    return out

# --- scband reference (transcript-rebuilt; emitter-appended) ---
"""Pipeline reference for scband-algorithm-amultinomial-61933428415671 (READ-ONLY COPY).

The authoritative reference and input builder live on the scoring server;
editing this copy changes nothing except your own understanding.
"""

import jax, jax.numpy as jnp
import numpy as np

B = 32
V = 1000000
NUM_SAMPLES = 64


def setup_inputs(seed: int = 0) -> dict:
    key = jax.random.key(seed)
    probs = jax.random.uniform(key, (B, V), dtype=jnp.float32, minval=1e-6, maxval=1.0)
    return {"probs": probs}


def reference(probs):
    # Algorithm A weighted sampling without replacement:
    # draw u ~ U(0,1), score = log(u) / p, take top-k scores.
    rkey = jax.random.fold_in(jax.random.key(0), 1)
    rand = jax.random.uniform(rkey, probs.shape, dtype=probs.dtype, minval=1e-12, maxval=1.0)
    log_rand_div_p = jnp.log(rand) / probs
    b = probs.shape[0]
    v = probs.shape[1]
    num_chunks = 100
    chunk = v // num_chunks
    x = log_rand_div_p.reshape(b, num_chunks, chunk)
    cvals, cidx = jax.lax.top_k(x, NUM_SAMPLES)
    offsets = (jnp.arange(num_chunks, dtype=cidx.dtype) * chunk)[None, :, None]
    gidx = (cidx + offsets).reshape(b, num_chunks * NUM_SAMPLES)
    cvals = cvals.reshape(b, num_chunks * NUM_SAMPLES)
    _, pos = jax.lax.top_k(cvals, NUM_SAMPLES)
    indices = jnp.take_along_axis(gidx, pos, axis=1)
    return indices

if __name__ == "__main__":
    import jax
    _d = setup_inputs()
    print(jax.jit(kernel)(*tuple(_d.values())))

</pallas_src>

<mosaic_0001>
module attributes {stable_mosaic.version = 14 : i64} {
  func.func @_topblocks_kernel(%arg0: memref<32x7936xf32, #tpu.memory_space<vmem>>, %arg1: memref<32x1024xi32, #tpu.memory_space<vmem>>, %arg2: memref<32x128xi32, #tpu.memory_space<vmem>>, %arg3: memref<32x7936xf32, #tpu.memory_space<vmem>>) attributes {dimension_semantics = [], scalar_prefetch = 0 : i64, scratch_operands = 1 : i64, tpu.core_type = #tpu.core_type<tc>} {
    %get3A = arith.constant 0 : index
    %get3A_0 = arith.constant 0 : index
    %get3A_1 = vector.load %arg0[%get3A, %get3A_0] : memref<32x7936xf32, #tpu.memory_space<vmem>>, vector<32x7936xf32>
    %swap3A = arith.constant 0 : index
    %swap3A_2 = arith.constant 0 : index
    %swap3A_3 = vector.load %arg3[%swap3A, %swap3A_2] : memref<32x7936xf32, #tpu.memory_space<vmem>>, vector<32x7936xf32>
    tpu.vector_store %arg3[%swap3A, %swap3A_2], %get3A_1 {strides = array<i32>} : memref<32x7936xf32, #tpu.memory_space<vmem>>, vector<32x7936xf32>,
    %broadcast_in_dim3A = arith.constant 0 : i32
    %broadcast_in_dim3A_4 = vector.broadcast %broadcast_in_dim3A : i32 to vector<32x128xi32>
    %swap3A_5 = arith.constant 0 : index
    %swap3A_6 = arith.constant 0 : index
    %swap3A_7 = vector.load %arg2[%swap3A_5, %swap3A_6] : memref<32x128xi32, #tpu.memory_space<vmem>>, vector<32x128xi32>
    tpu.vector_store %arg2[%swap3A_5, %swap3A_6], %broadcast_in_dim3A_4 {strides = array<i32>} : memref<32x128xi32, #tpu.memory_space<vmem>>, vector<32x128xi32>,
    %iota3A = tpu.iota {dimensions = array<i32: 1>} : vector<32x7936xi32>
    %iota3A_8 = tpu.iota {dimensions = array<i32: 1>} : vector<32x128xi32>
    %scan3A = arith.constant 0 : i32
    %scan3A_9 = arith.constant 128 : i32
    %scan3A_10 = arith.addi %scan3A, %scan3A_9 : i32
    %scan3A_11 = arith.constant 1 : i32
    scf.for %scan3A_31 = %scan3A to %scan3A_10 step %scan3A_11  : i32 {
      %get3A_32 = arith.constant 0 : index
      %get3A_33 = arith.constant 0 : index
      %get3A_34 = vector.load %arg3[%get3A_32, %get3A_33] : memref<32x7936xf32, #tpu.memory_space<vmem>>, vector<32x7936xf32>
      %reduce_max3A = arith.constant dense<0xFF800000> : vector<32xf32>
      %reduce_max3A_35 = vector.multi_reduction <maximumf>, %get3A_34, %reduce_max3A [1] : vector<32x7936xf32> to vector<32xf32>
      %broadcast_in_dim3A_36 = vector.shape_cast %reduce_max3A_35 : vector<32xf32> to vector<32x1xf32>
      %eq3A = vector.broadcast %broadcast_in_dim3A_36 : vector<32x1xf32> to vector<32x7936xf32>
      %eq3A_37 = arith.cmpf oeq, %get3A_34, %eq3A : vector<32x7936xf32>
      %jit3A = arith.constant 1073741824 : i32
      %broadcast_in_dim3A_38 = vector.broadcast %jit3A : i32 to vector<32x7936xi32>
      %select_n3A = arith.select %eq3A_37, %iota3A, %broadcast_in_dim3A_38 : vector<32x7936xi1>, vector<32x7936xi32>
      %reduce_min3A = arith.constant dense<2147483647> : vector<32xi32>
      %reduce_min3A_39 = vector.multi_reduction <minsi>, %select_n3A, %reduce_min3A [1] : vector<32x7936xi32> to vector<32xi32>
      %broadcast_in_dim3A_40 = vector.shape_cast %reduce_min3A_39 : vector<32xi32> to vector<32x1xi32>
      %eq3A_41 = vector.broadcast %scan3A_31 : i32 to vector<32x128xi32>
      %eq3A_42 = arith.cmpi eq, %iota3A_8, %eq3A_41 : vector<32x128xi32>
      %get3A_43 = arith.constant 0 : index
      %get3A_44 = arith.constant 0 : index
      %get3A_45 = vector.load %arg2[%get3A_43, %get3A_44] : memref<32x128xi32, #tpu.memory_space<vmem>>, vector<32x128xi32>
      %broadcast_in_dim3A_46 = vector.shape_cast %broadcast_in_dim3A_40 : vector<32x1xi32> to vector<32x1xi32>
      %broadcast_in_dim3A_47 = vector.broadcast %broadcast_in_dim3A_46 : vector<32x1xi32> to vector<32x128xi32>
      %select_n3A_48 = arith.select %eq3A_42, %broadcast_in_dim3A_47, %get3A_45 : vector<32x128xi1>, vector<32x128xi32>
      %swap3A_49 = arith.constant 0 : index
      %swap3A_50 = arith.constant 0 : index
      %swap3A_51 = vector.load %arg2[%swap3A_49, %swap3A_50] : memref<32x128xi32, #tpu.memory_space<vmem>>, vector<32x128xi32>
      tpu.vector_store %arg2[%swap3A_49, %swap3A_50], %select_n3A_48 {strides = array<i32>} : memref<32x128xi32, #tpu.memory_space<vmem>>, vector<32x128xi32>,
      %eq3A_52 = vector.broadcast %broadcast_in_dim3A_40 : vector<32x1xi32> to vector<32x7936xi32>
      %eq3A_53 = arith.cmpi eq, %iota3A, %eq3A_52 : vector<32x7936xi32>
      %jit3A_54 = arith.constant 0xFF800000 : f32
      %broadcast_in_dim3A_55 = vector.broadcast %jit3A_54 : f32 to vector<32x7936xf32>
      %select_n3A_56 = arith.select %eq3A_53, %broadcast_in_dim3A_55, %get3A_34 : vector<32x7936xi1>, vector<32x7936xf32>
      %swap3A_57 = arith.constant 0 : index
      %swap3A_58 = arith.constant 0 : index
      %swap3A_59 = vector.load %arg3[%swap3A_57, %swap3A_58] : memref<32x7936xf32, #tpu.memory_space<vmem>>, vector<32x7936xf32>
      tpu.vector_store %arg3[%swap3A_57, %swap3A_58], %select_n3A_56 {strides = array<i32>} : memref<32x7936xf32, #tpu.memory_space<vmem>>, vector<32x7936xf32>,
    }
    %scan3A_12 = arith.constant 128 : i32
    %get3A_13 = arith.constant 0 : index
    %get3A_14 = arith.constant 0 : index
    %get3A_15 = vector.load %arg2[%get3A_13, %get3A_14] : memref<32x128xi32, #tpu.memory_space<vmem>>, vector<32x128xi32>
    %iota3A_16 = tpu.iota {dimensions = array<i32: 0>} : vector<32x128xi32>
    %mul3A = arith.constant 62500 : i32
    %mul3A_17 = vector.broadcast %mul3A : i32 to vector<32x128xi32>
    %mul3A_18 = arith.muli %iota3A_16, %mul3A_17 : vector<32x128xi32>
    %mul3A_19 = arith.constant 8 : i32
    %mul3A_20 = vector.broadcast %mul3A_19 : i32 to vector<32x128xi32>
    %mul3A_21 = arith.muli %get3A_15, %mul3A_20 : vector<32x128xi32>
    %add3A = arith.addi %mul3A_18, %mul3A_21 : vector<32x128xi32>
    %broadcast_in_dim3A_22 = vector.shape_cast %add3A : vector<32x128xi32> to vector<32x128x1xi32>
    %iota3A_23 = tpu.iota {dimensions = array<i32: 2>} : vector<32x128x8xi32>
    %add3A_24 = vector.broadcast %broadcast_in_dim3A_22 : vector<32x128x1xi32> to vector<32x128x8xi32>
    %add3A_25 = arith.addi %add3A_24, %iota3A_23 : vector<32x128x8xi32>
    %reshape3A = vector.shape_cast %add3A_25 : vector<32x128x8xi32> to vector<32x1024xi32>
    %min3A = arith.constant 1999999 : i32
    %min3A_26 = vector.broadcast %min3A : i32 to vector<32x1024xi32>
    %min3A_27 = arith.minsi %reshape3A, %min3A_26 : vector<32x1024xi32>
    %swap3A_28 = arith.constant 0 : index
    %swap3A_29 = arith.constant 0 : index
    %swap3A_30 = vector.load %arg1[%swap3A_28, %swap3A_29] : memref<32x1024xi32, #tpu.memory_space<vmem>>, vector<32x1024xi32>
    tpu.vector_store %arg1[%swap3A_28, %swap3A_29], %min3A_27 {strides = array<i32>} : memref<32x1024xi32, #tpu.memory_space<vmem>>, vector<32x1024xi32>,
    return
  }
}

module attributes {stable_mosaic.version = 14 : i64} {
  func.func @_blockmax_kernel(%arg0: i32, %arg1: memref<32x16384xf32, #tpu.memory_space<vmem>>, %arg2: memref<32x128xf32, #tpu.memory_space<vmem>>) attributes {dimension_semantics = [#tpu.dimension_semantics<arbitrary>], iteration_bounds = array<i64: 62>, scalar_prefetch = 0 : i64, scratch_operands = 0 : i64, tpu.core_type = #tpu.core_type<tc>, window_params = [{transform_indices = @transform_0, window_bounds = array<i64: 32, 16384>}, {transform_indices = @transform_1, window_bounds = array<i64: 32, 128>}]} {
    %get3A = arith.constant 0 : index
    %get3A_0 = arith.constant 0 : index
    %get3A_1 = vector.load %arg1[%get3A, %get3A_0] : memref<32x16384xf32, #tpu.memory_space<vmem>>, vector<32x16384xf32>
    %iota3A = tpu.iota {dimensions = array<i32: 1>} : vector<32x16384xi32>
    %mul3A = arith.constant 16384 : i32
    %mul3A_2 = arith.muli %arg0, %mul3A : i32
    %add3A = vector.broadcast %mul3A_2 : i32 to vector<32x16384xi32>
    %add3A_3 = arith.addi %iota3A, %add3A : vector<32x16384xi32>
    %iota3A_4 = tpu.iota {dimensions = array<i32: 0>} : vector<32x16384xi32>
    %mul3A_5 = arith.constant 1000000 : i32
    %mul3A_6 = vector.broadcast %mul3A_5 : i32 to vector<32x16384xi32>
    %mul3A_7 = arith.muli %iota3A_4, %mul3A_6 : vector<32x16384xi32>
    %add3A_8 = arith.addi %mul3A_7, %add3A_3 : vector<32x16384xi32>
    %broadcast_in_dim3A = arith.constant 0 : i32
    %broadcast_in_dim3A_9 = vector.broadcast %broadcast_in_dim3A : i32 to vector<32x16384xi32>
    %xor3A = arith.constant 928981903 : i32
    %xor3A_10 = arith.constant -841280227 : i32
    %xor3A_11 = arith.xori %xor3A, %xor3A_10 : i32
    %xor3A_12 = arith.constant 466688986 : i32
    %xor3A_13 = arith.xori %xor3A_11, %xor3A_12 : i32
    %add3A_14 = arith.constant 928981903 : i32
    %add3A_15 = vector.broadcast %add3A_14 : i32 to vector<32x16384xi32>
    %add3A_16 = arith.addi %broadcast_in_dim3A_9, %add3A_15 : vector<32x16384xi32>
    %add3A_17 = arith.constant -841280227 : i32
    %add3A_18 = vector.broadcast %add3A_17 : i32 to vector<32x16384xi32>
    %add3A_19 = arith.addi %add3A_8, %add3A_18 : vector<32x16384xi32>
    %add3A_20 = arith.addi %add3A_16, %add3A_19 : vector<32x16384xi32>
    %shift_left3A = arith.constant 13 : i32
    %shift_left3A_21 = vector.broadcast %shift_left3A : i32 to vector<32x16384xi32>
    %shift_left3A_22 = arith.shli %add3A_19, %shift_left3A_21 : vector<32x16384xi32>
    %shift_right_logical3A = arith.constant 19 : i32
    %shift_right_logical3A_23 = vector.broadcast %shift_right_logical3A : i32 to vector<32x16384xi32>
    %shift_right_logical3A_24 = arith.shrui %add3A_19, %shift_right_logical3A_23 : vector<32x16384xi32>
    %or3A = arith.ori %shift_left3A_22, %shift_right_logical3A_24 : vector<32x16384xi32>
    %xor3A_25 = arith.xori %or3A, %add3A_20 : vector<32x16384xi32>
    %add3A_26 = arith.addi %add3A_20, %xor3A_25 : vector<32x16384xi32>
    %shift_left3A_27 = arith.constant 15 : i32
    %shift_left3A_28 = vector.broadcast %shift_left3A_27 : i32 to vector<32x16384xi32>
    %shift_left3A_29 = arith.shli %xor3A_25, %shift_left3A_28 : vector<32x16384xi32>
    %shift_right_logical3A_30 = arith.constant 17 : i32
    %shift_right_logical3A_31 = vector.broadcast %shift_right_logical3A_30 : i32 to vector<32x16384xi32>
    %shift_right_logical3A_32 = arith.shrui %xor3A_25, %shift_right_logical3A_31 : vector<32x16384xi32>
    %or3A_33 = arith.ori %shift_left3A_29, %shift_right_logical3A_32 : vector<32x16384xi32>
    %xor3A_34 = arith.xori %or3A_33, %add3A_26 : vector<32x16384xi32>
    %add3A_35 = arith.addi %add3A_26, %xor3A_34 : vector<32x16384xi32>
    %shift_left3A_36 = arith.constant 26 : i32
    %shift_left3A_37 = vector.broadcast %shift_left3A_36 : i32 to vector<32x16384xi32>
    %shift_left3A_38 = arith.shli %xor3A_34, %shift_left3A_37 : vector<32x16384xi32>
    %shift_right_logical3A_39 = arith.constant 6 : i32
    %shift_right_logical3A_40 = vector.broadcast %shift_right_logical3A_39 : i32 to vector<32x16384xi32>
    %shift_right_logical3A_41 = arith.shrui %xor3A_34, %shift_right_logical3A_40 : vector<32x16384xi32>
    %or3A_42 = arith.ori %shift_left3A_38, %shift_right_logical3A_41 : vector<32x16384xi32>
    %xor3A_43 = arith.xori %or3A_42, %add3A_35 : vector<32x16384xi32>
    %add3A_44 = arith.addi %add3A_35, %xor3A_43 : vector<32x16384xi32>
    %shift_left3A_45 = arith.constant 6 : i32
    %shift_left3A_46 = vector.broadcast %shift_left3A_45 : i32 to vector<32x16384xi32>
    %shift_left3A_47 = arith.shli %xor3A_43, %shift_left3A_46 : vector<32x16384xi32>
    %shift_right_logical3A_48 = arith.constant 26 : i32
    %shift_right_logical3A_49 = vector.broadcast %shift_right_logical3A_48 : i32 to vector<32x16384xi32>
    %shift_right_logical3A_50 = arith.shrui %xor3A_43, %shift_right_logical3A_49 : vector<32x16384xi32>
    %or3A_51 = arith.ori %shift_left3A_47, %shift_right_logical3A_50 : vector<32x16384xi32>
    %xor3A_52 = arith.xori %or3A_51, %add3A_44 : vector<32x16384xi32>
    %add3A_53 = arith.constant -841280227 : i32
    %add3A_54 = vector.broadcast %add3A_53 : i32 to vector<32x16384xi32>
    %add3A_55 = arith.addi %add3A_44, %add3A_54 : vector<32x16384xi32>
    %add3A_56 = vector.broadcast %xor3A_13 : i32 to vector<32x16384xi32>
    %add3A_57 = arith.addi %xor3A_52, %add3A_56 : vector<32x16384xi32>
    %add3A_58 = arith.constant 1 : i32
    %add3A_59 = vector.broadcast %add3A_58 : i32 to vector<32x16384xi32>
    %add3A_60 = arith.addi %add3A_57, %add3A_59 : vector<32x16384xi32>
    %add3A_61 = arith.addi %add3A_55, %add3A_60 : vector<32x16384xi32>
    %shift_left3A_62 = arith.constant 17 : i32
    %shift_left3A_63 = vector.broadcast %shift_left3A_62 : i32 to vector<32x16384xi32>
    %shift_left3A_64 = arith.shli %add3A_60, %shift_left3A_63 : vector<32x16384xi32>
    %shift_right_logical3A_65 = arith.constant 15 : i32
    %shift_right_logical3A_66 = vector.broadcast %shift_right_logical3A_65 : i32 to vector<32x16384xi32>
    %shift_right_logical3A_67 = arith.shrui %add3A_60, %shift_right_logical3A_66 : vector<32x16384xi32>
    %or3A_68 = arith.ori %shift_left3A_64, %shift_right_logical3A_67 : vector<32x16384xi32>
    %xor3A_69 = arith.xori %or3A_68, %add3A_61 : vector<32x16384xi32>
    %add3A_70 = arith.addi %add3A_61, %xor3A_69 : vector<32x16384xi32>
    %shift_left3A_71 = arith.constant 29 : i32
    %shift_left3A_72 = vector.broadcast %shift_left3A_71 : i32 to vector<32x16384xi32>
    %shift_left3A_73 = arith.shli %xor3A_69, %shift_left3A_72 : vector<32x16384xi32>
    %shift_right_logical3A_74 = arith.constant 3 : i32
    %shift_right_logical3A_75 = vector.broadcast %shift_right_logical3A_74 : i32 to vector<32x16384xi32>
    %shift_right_logical3A_76 = arith.shrui %xor3A_69, %shift_right_logical3A_75 : vector<32x16384xi32>
    %or3A_77 = arith.ori %shift_left3A_73, %shift_right_logical3A_76 : vector<32x16384xi32>
    %xor3A_78 = arith.xori %or3A_77, %add3A_70 : vector<32x16384xi32>
    %add3A_79 = arith.addi %add3A_70, %xor3A_78 : vector<32x16384xi32>
    %shift_left3A_80 = arith.constant 16 : i32
    %shift_left3A_81 = vector.broadcast %shift_left3A_80 : i32 to vector<32x16384xi32>
    %shift_left3A_82 = arith.shli %xor3A_78, %shift_left3A_81 : vector<32x16384xi32>
    %shift_right_logical3A_83 = arith.constant 16 : i32
    %shift_right_logical3A_84 = vector.broadcast %shift_right_logical3A_83 : i32 to vector<32x16384xi32>
    %shift_right_logical3A_85 = arith.shrui %xor3A_78, %shift_right_logical3A_84 : vector<32x16384xi32>
    %or3A_86 = arith.ori %shift_left3A_82, %shift_right_logical3A_85 : vector<32x16384xi32>
    %xor3A_87 = arith.xori %or3A_86, %add3A_79 : vector<32x16384xi32>
    %add3A_88 = arith.addi %add3A_79, %xor3A_87 : vector<32x16384xi32>
    %shift_left3A_89 = arith.constant 24 : i32
    %shift_left3A_90 = vector.broadcast %shift_left3A_89 : i32 to vector<32x16384xi32>
    %shift_left3A_91 = arith.shli %xor3A_87, %shift_left3A_90 : vector<32x16384xi32>
    %shift_right_logical3A_92 = arith.constant 8 : i32
    %shift_right_logical3A_93 = vector.broadcast %shift_right_logical3A_92 : i32 to vector<32x16384xi32>
    %shift_right_logical3A_94 = arith.shrui %xor3A_87, %shift_right_logical3A_93 : vector<32x16384xi32>
    %or3A_95 = arith.ori %shift_left3A_91, %shift_right_logical3A_94 : vector<32x16384xi32>
    %xor3A_96 = arith.xori %or3A_95, %add3A_88 : vector<32x16384xi32>
    %add3A_97 = vector.broadcast %xor3A_13 : i32 to vector<32x16384xi32>
    %add3A_98 = arith.addi %add3A_88, %add3A_97 : vector<32x16384xi32>
    %add3A_99 = arith.constant 928981903 : i32
    %add3A_100 = vector.broadcast %add3A_99 : i32 to vector<32x16384xi32>
    %add3A_101 = arith.addi %xor3A_96, %add3A_100 : vector<32x16384xi32>
    %add3A_102 = arith.constant 2 : i32
    %add3A_103 = vector.broadcast %add3A_102 : i32 to vector<32x16384xi32>
    %add3A_104 = arith.addi %add3A_101, %add3A_103 : vector<32x16384xi32>
    %add3A_105 = arith.addi %add3A_98, %add3A_104 : vector<32x16384xi32>
    %shift_left3A_106 = arith.constant 13 : i32
    %shift_left3A_107 = vector.broadcast %shift_left3A_106 : i32 to vector<32x16384xi32>
    %shift_left3A_108 = arith.shli %add3A_104, %shift_left3A_107 : vector<32x16384xi32>
    %shift_right_logical3A_109 = arith.constant 19 : i32
    %shift_right_logical3A_110 = vector.broadcast %shift_right_logical3A_109 : i32 to vector<32x16384xi32>
    %shift_right_logical3A_111 = arith.shrui %add3A_104, %shift_right_logical3A_110 : vector<32x16384xi32>
    %or3A_112 = arith.ori %shift_left3A_108, %shift_right_logical3A_111 : vector<32x16384xi32>
    %xor3A_113 = arith.xori %or3A_112, %add3A_105 : vector<32x16384xi32>
    %add3A_114 = arith.addi %add3A_105, %xor3A_113 : vector<32x16384xi32>
    %shift_left3A_115 = arith.constant 15 : i32
    %shift_left3A_116 = vector.broadcast %shift_left3A_115 : i32 to vector<32x16384xi32>
    %shift_left3A_117 = arith.shli %xor3A_113, %shift_left3A_116 : vector<32x16384xi32>
    %shift_right_logical3A_118 = arith.constant 17 : i32
    %shift_right_logical3A_119 = vector.broadcast %shift_right_logical3A_118 : i32 to vector<32x16384xi32>
    %shift_right_logical3A_120 = arith.shrui %xor3A_113, %shift_right_logical3A_119 : vector<32x16384xi32>
    %or3A_121 = arith.ori %shift_left3A_117, %shift_right_logical3A_120 : vector<32x16384xi32>
    %xor3A_122 = arith.xori %or3A_121, %add3A_114 : vector<32x16384xi32>
    %add3A_123 = arith.addi %add3A_114, %xor3A_122 : vector<32x16384xi32>
    %shift_left3A_124 = arith.constant 26 : i32
    %shift_left3A_125 = vector.broadcast %shift_left3A_124 : i32 to vector<32x16384xi32>
    %shift_left3A_126 = arith.shli %xor3A_122, %shift_left3A_125 : vector<32x16384xi32>
    %shift_right_logical3A_127 = arith.constant 6 : i32
    %shift_right_logical3A_128 = vector.broadcast %shift_right_logical3A_127 : i32 to vector<32x16384xi32>
    %shift_right_logical3A_129 = arith.shrui %xor3A_122, %shift_right_logical3A_128 : vector<32x16384xi32>
    %or3A_130 = arith.ori %shift_left3A_126, %shift_right_logical3A_129 : vector<32x16384xi32>
    %xor3A_131 = arith.xori %or3A_130, %add3A_123 : vector<32x16384xi32>
    %add3A_132 = arith.addi %add3A_123, %xor3A_131 : vector<32x16384xi32>
    %shift_left3A_133 = arith.constant 6 : i32
    %shift_left3A_134 = vector.broadcast %shift_left3A_133 : i32 to vector<32x16384xi32>
    %shift_left3A_135 = arith.shli %xor3A_131, %shift_left3A_134 : vector<32x16384xi32>
    %shift_right_logical3A_136 = arith.constant 26 : i32
    %shift_right_logical3A_137 = vector.broadcast %shift_right_logical3A_136 : i32 to vector<32x16384xi32>
    %shift_right_logical3A_138 = arith.shrui %xor3A_131, %shift_right_logical3A_137 : vector<32x16384xi32>
    %or3A_139 = arith.ori %shift_left3A_135, %shift_right_logical3A_138 : vector<32x16384xi32>
    %xor3A_140 = arith.xori %or3A_139, %add3A_132 : vector<32x16384xi32>
    %add3A_141 = arith.constant 928981903 : i32
    %add3A_142 = vector.broadcast %add3A_141 : i32 to vector<32x16384xi32>
    %add3A_143 = arith.addi %add3A_132, %add3A_142 : vector<32x16384xi32>
    %add3A_144 = arith.constant -841280227 : i32
    %add3A_145 = vector.broadcast %add3A_144 : i32 to vector<32x16384xi32>
    %add3A_146 = arith.addi %xor3A_140, %add3A_145 : vector<32x16384xi32>
    %add3A_147 = arith.constant 3 : i32
    %add3A_148 = vector.broadcast %add3A_147 : i32 to vector<32x16384xi32>
    %add3A_149 = arith.addi %add3A_146, %add3A_148 : vector<32x16384xi32>
    %add3A_150 = arith.addi %add3A_143, %add3A_149 : vector<32x16384xi32>
    %shift_left3A_151 = arith.constant 17 : i32
    %shift_left3A_152 = vector.broadcast %shift_left3A_151 : i32 to vector<32x16384xi32>
    %shift_left3A_153 = arith.shli %add3A_149, %shift_left3A_152 : vector<32x16384xi32>
    %shift_right_logical3A_154 = arith.constant 15 : i32
    %shift_right_logical3A_155 = vector.broadcast %shift_right_logical3A_154 : i32 to vector<32x16384xi32>
    %shift_right_logical3A_156 = arith.shrui %add3A_149, %shift_right_logical3A_155 : vector<32x16384xi32>
    %or3A_157 = arith.ori %shift_left3A_153, %shift_right_logical3A_156 : vector<32x16384xi32>
    %xor3A_158 = arith.xori %or3A_157, %add3A_150 : vector<32x16384xi32>
    %add3A_159 = arith.addi %add3A_150, %xor3A_158 : vector<32x16384xi32>
    %shift_left3A_160 = arith.constant 29 : i32
    %shift_left3A_161 = vector.broadcast %shift_left3A_160 : i32 to vector<32x16384xi32>
    %shift_left3A_162 = arith.shli %xor3A_158, %shift_left3A_161 : vector<32x16384xi32>
    %shift_right_logical3A_163 = arith.constant 3 : i32
    %shift_right_logical3A_164 = vector.broadcast %shift_right_logical3A_163 : i32 to vector<32x16384xi32>
    %shift_right_logical3A_165 = arith.shrui %xor3A_158, %shift_right_logical3A_164 : vector<32x16384xi32>
    %or3A_166 = arith.ori %shift_left3A_162, %shift_right_logical3A_165 : vector<32x16384xi32>
    %xor3A_167 = arith.xori %or3A_166, %add3A_159 : vector<32x16384xi32>
    %add3A_168 = arith.addi %add3A_159, %xor3A_167 : vector<32x16384xi32>
    %shift_left3A_169 = arith.constant 16 : i32
    %shift_left3A_170 = vector.broadcast %shift_left3A_169 : i32 to vector<32x16384xi32>
    %shift_left3A_171 = arith.shli %xor3A_167, %shift_left3A_170 : vector<32x16384xi32>
    %shift_right_logical3A_172 = arith.constant 16 : i32
    %shift_right_logical3A_173 = vector.broadcast %shift_right_logical3A_172 : i32 to vector<32x16384xi32>
    %shift_right_logical3A_174 = arith.shrui %xor3A_167, %shift_right_logical3A_173 : vector<32x16384xi32>
    %or3A_175 = arith.ori %shift_left3A_171, %shift_right_logical3A_174 : vector<32x16384xi32>
    %xor3A_176 = arith.xori %or3A_175, %add3A_168 : vector<32x16384xi32>
    %add3A_177 = arith.addi %add3A_168, %xor3A_176 : vector<32x16384xi32>
    %shift_left3A_178 = arith.constant 24 : i32
    %shift_left3A_179 = vector.broadcast %shift_left3A_178 : i32 to vector<32x16384xi32>
    %shift_left3A_180 = arith.shli %xor3A_176, %shift_left3A_179 : vector<32x16384xi32>
    %shift_right_logical3A_181 = arith.constant 8 : i32
    %shift_right_logical3A_182 = vector.broadcast %shift_right_logical3A_181 : i32 to vector<32x16384xi32>
    %shift_right_logical3A_183 = arith.shrui %xor3A_176, %shift_right_logical3A_182 : vector<32x16384xi32>
    %or3A_184 = arith.ori %shift_left3A_180, %shift_right_logical3A_183 : vector<32x16384xi32>
    %xor3A_185 = arith.xori %or3A_184, %add3A_177 : vector<32x16384xi32>
    %add3A_186 = arith.constant -841280227 : i32
    %add3A_187 = vector.broadcast %add3A_186 : i32 to vector<32x16384xi32>
    %add3A_188 = arith.addi %add3A_177, %add3A_187 : vector<32x16384xi32>
    %add3A_189 = vector.broadcast %xor3A_13 : i32 to vector<32x16384xi32>
    %add3A_190 = arith.addi %xor3A_185, %add3A_189 : vector<32x16384xi32>
    %add3A_191 = arith.constant 4 : i32
    %add3A_192 = vector.broadcast %add3A_191 : i32 to vector<32x16384xi32>
    %add3A_193 = arith.addi %add3A_190, %add3A_192 : vector<32x16384xi32>
    %add3A_194 = arith.addi %add3A_188, %add3A_193 : vector<32x16384xi32>
    %shift_left3A_195 = arith.constant 13 : i32
    %shift_left3A_196 = vector.broadcast %shift_left3A_195 : i32 to vector<32x16384xi32>
    %shift_left3A_197 = arith.shli %add3A_193, %shift_left3A_196 : vector<32x16384xi32>
    %shift_right_logical3A_198 = arith.constant 19 : i32
    %shift_right_logical3A_199 = vector.broadcast %shift_right_logical3A_198 : i32 to vector<32x16384xi32>
    %shift_right_logical3A_200 = arith.shrui %add3A_193, %shift_right_logical3A_199 : vector<32x16384xi32>
    %or3A_201 = arith.ori %shift_left3A_197, %shift_right_logical3A_200 : vector<32x16384xi32>
    %xor3A_202 = arith.xori %or3A_201, %add3A_194 : vector<32x16384xi32>
    %add3A_203 = arith.addi %add3A_194, %xor3A_202 : vector<32x16384xi32>
    %shift_left3A_204 = arith.constant 15 : i32
    %shift_left3A_205 = vector.broadcast %shift_left3A_204 : i32 to vector<32x16384xi32>
    %shift_left3A_206 = arith.shli %xor3A_202, %shift_left3A_205 : vector<32x16384xi32>
    %shift_right_logical3A_207 = arith.constant 17 : i32
    %shift_right_logical3A_208 = vector.broadcast %shift_right_logical3A_207 : i32 to vector<32x16384xi32>
    %shift_right_logical3A_209 = arith.shrui %xor3A_202, %shift_right_logical3A_208 : vector<32x16384xi32>
    %or3A_210 = arith.ori %shift_left3A_206, %shift_right_logical3A_209 : vector<32x16384xi32>
    %xor3A_211 = arith.xori %or3A_210, %add3A_203 : vector<32x16384xi32>
    %add3A_212 = arith.addi %add3A_203, %xor3A_211 : vector<32x16384xi32>
    %shift_left3A_213 = arith.constant 26 : i32
    %shift_left3A_214 = vector.broadcast %shift_left3A_213 : i32 to vector<32x16384xi32>
    %shift_left3A_215 = arith.shli %xor3A_211, %shift_left3A_214 : vector<32x16384xi32>
    %shift_right_logical3A_216 = arith.constant 6 : i32
    %shift_right_logical3A_217 = vector.broadcast %shift_right_logical3A_216 : i32 to vector<32x16384xi32>
    %shift_right_logical3A_218 = arith.shrui %xor3A_211, %shift_right_logical3A_217 : vector<32x16384xi32>
    %or3A_219 = arith.ori %shift_left3A_215, %shift_right_logical3A_218 : vector<32x16384xi32>
    %xor3A_220 = arith.xori %or3A_219, %add3A_212 : vector<32x16384xi32>
    %add3A_221 = arith.addi %add3A_212, %xor3A_220 : vector<32x16384xi32>
    %shift_left3A_222 = arith.constant 6 : i32
    %shift_left3A_223 = vector.broadcast %shift_left3A_222 : i32 to vector<32x16384xi32>
    %shift_left3A_224 = arith.shli %xor3A_220, %shift_left3A_223 : vector<32x16384xi32>
    %shift_right_logical3A_225 = arith.constant 26 : i32
    %shift_right_logical3A_226 = vector.broadcast %shift_right_logical3A_225 : i32 to vector<32x16384xi32>
    %shift_right_logical3A_227 = arith.shrui %xor3A_220, %shift_right_logical3A_226 : vector<32x16384xi32>
    %or3A_228 = arith.ori %shift_left3A_224, %shift_right_logical3A_227 : vector<32x16384xi32>
    %xor3A_229 = arith.xori %or3A_228, %add3A_221 : vector<32x16384xi32>
    %add3A_230 = vector.broadcast %xor3A_13 : i32 to vector<32x16384xi32>
    %add3A_231 = arith.addi %add3A_221, %add3A_230 : vector<32x16384xi32>
    %add3A_232 = arith.constant 928981903 : i32
    %add3A_233 = vector.broadcast %add3A_232 : i32 to vector<32x16384xi32>
    %add3A_234 = arith.addi %xor3A_229, %add3A_233 : vector<32x16384xi32>
    %add3A_235 = arith.constant 5 : i32
    %add3A_236 = vector.broadcast %add3A_235 : i32 to vector<32x16384xi32>
    %add3A_237 = arith.addi %add3A_234, %add3A_236 : vector<32x16384xi32>
    %xor3A_238 = arith.xori %add3A_231, %add3A_237 : vector<32x16384xi32>
    %shift_right_logical3A_239 = arith.constant 9 : i32
    %shift_right_logical3A_240 = vector.broadcast %shift_right_logical3A_239 : i32 to vector<32x16384xi32>
    %shift_right_logical3A_241 = arith.shrui %xor3A_238, %shift_right_logical3A_240 : vector<32x16384xi32>
    %or3A_242 = arith.constant 1065353216 : i32
    %or3A_243 = vector.broadcast %or3A_242 : i32 to vector<32x16384xi32>
    %or3A_244 = arith.ori %shift_right_logical3A_241, %or3A_243 : vector<32x16384xi32>
    %bitcast_convert_type3A = tpu.bitcast %or3A_244 : vector<32x16384xi32> -> vector<32x16384xf32>
    %sub3A = arith.constant 1.000000e+00 : f32
    %sub3A_245 = vector.broadcast %sub3A : f32 to vector<32x16384xf32>
    %sub3A_246 = arith.subf %bitcast_convert_type3A, %sub3A_245 : vector<32x16384xf32>
    %sub3A_247 = arith.constant 1.000000e+00 : f32
    %sub3A_248 = arith.constant 9.99999996E-13 : f32
    %sub3A_249 = arith.subf %sub3A_247, %sub3A_248 : f32
    %mul3A_250 = vector.broadcast %sub3A_249 : f32 to vector<32x16384xf32>
    %mul3A_251 = arith.mulf %sub3A_246, %mul3A_250 : vector<32x16384xf32>
    %add3A_252 = arith.constant 9.99999996E-13 : f32
    %add3A_253 = vector.broadcast %add3A_252 : f32 to vector<32x16384xf32>
    %add3A_254 = arith.addf %mul3A_251, %add3A_253 : vector<32x16384xf32>
    %max3A = arith.constant 9.99999996E-13 : f32
    %max3A_255 = vector.broadcast %max3A : f32 to vector<32x16384xf32>
    %max3A_256 = arith.maximumf %max3A_255, %add3A_254 : vector<32x16384xf32>
    %log3A = math.log %max3A_256 : vector<32x16384xf32>
    %div3A = arith.divf %log3A, %get3A_1 : vector<32x16384xf32>
    %lt3A = arith.constant 1000000 : i32
    %lt3A_257 = vector.broadcast %lt3A : i32 to vector<32x16384xi32>
    %lt3A_258 = arith.cmpi slt, %add3A_3, %lt3A_257 : vector<32x16384xi32>
    %jit3A = arith.constant 0xFF800000 : f32
    %broadcast_in_dim3A_259 = vector.broadcast %jit3A : f32 to vector<32x16384xf32>
    %select_n3A = arith.select %lt3A_258, %div3A, %broadcast_in_dim3A_259 : vector<32x16384xi1>, vector<32x16384xf32>
    %reshape3A = vector.shape_cast %select_n3A : vector<32x16384xf32> to vector<32x128x128xf32>
    %reduce_max3A = arith.constant dense<0xFF800000> : vector<32x128xf32>
    %reduce_max3A_260 = vector.multi_reduction <maximumf>, %reshape3A, %reduce_max3A [2] : vector<32x128x128xf32> to vector<32x128xf32>
    %swap3A = arith.constant 0 : index
    %swap3A_261 = arith.constant 0 : index
    %swap3A_262 = vector.load %arg2[%swap3A, %swap3A_261] : memref<32x128xf32, #tpu.memory_space<vmem>>, vector<32x128xf32>
    tpu.vector_store %arg2[%swap3A, %swap3A_261], %reduce_max3A_260 {strides = array<i32>} : memref<32x128xf32, #tpu.memory_space<vmem>>, vector<32x128xf32>,
    return
  }
  func.func @transform_0(%arg0: i32) -> (i32, i32) {
    %c0_i32 = arith.constant 0 : i32
    %c0_i32_0 = arith.constant 0 : i32
    return %c0_i32, %arg0 : i32, i32
  }
  func.func @transform_1(%arg0: i32) -> (i32, i32) {
    %c0_i32 = arith.constant 0 : i32
    %c0_i32_0 = arith.constant 0 : i32
    return %c0_i32, %arg0 : i32, i32
  }
}

module attributes {stable_mosaic.version = 14 : i64} {
  func.func @_final_topk_kernel(%arg0: memref<32x16384xf32, #tpu.memory_space<vmem>>, %arg1: memref<32x128xi32, #tpu.memory_space<vmem>>, %arg2: memref<32x64xi32, #tpu.memory_space<vmem>>, %arg3: memref<32x16384xf32, #tpu.memory_space<vmem>>, %arg4: memref<32x16384xi32, #tpu.memory_space<vmem>>) attributes {dimension_semantics = [], scalar_prefetch = 0 : i64, scratch_operands = 2 : i64, tpu.core_type = #tpu.core_type<tc>} {
    %get3A = arith.constant 0 : index
    %get3A_0 = arith.constant 0 : index
    %get3A_1 = vector.load %arg1[%get3A, %get3A_0] : memref<32x128xi32, #tpu.memory_space<vmem>>, vector<32x128xi32>
    %broadcast_in_dim3A = vector.shape_cast %get3A_1 : vector<32x128xi32> to vector<32x128x1xi32>
    %mul3A = arith.constant 128 : i32
    %mul3A_2 = vector.broadcast %mul3A : i32 to vector<32x128x1xi32>
    %mul3A_3 = arith.muli %broadcast_in_dim3A, %mul3A_2 : vector<32x128x1xi32>
    %iota3A = tpu.iota {dimensions = array<i32: 2>} : vector<32x128x128xi32>
    %add3A = vector.broadcast %mul3A_3 : vector<32x128x1xi32> to vector<32x128x128xi32>
    %add3A_4 = arith.addi %add3A, %iota3A : vector<32x128x128xi32>
    %reshape3A = vector.shape_cast %add3A_4 : vector<32x128x128xi32> to vector<32x16384xi32>
    %get3A_5 = arith.constant 0 : index
    %get3A_6 = arith.constant 0 : index
    %get3A_7 = vector.load %arg0[%get3A_5, %get3A_6] : memref<32x16384xf32, #tpu.memory_space<vmem>>, vector<32x16384xf32>
    %iota3A_8 = tpu.iota {dimensions = array<i32: 0>} : vector<32x16384xi32>
    %mul3A_9 = arith.constant 1000000 : i32
    %mul3A_10 = vector.broadcast %mul3A_9 : i32 to vector<32x16384xi32>
    %mul3A_11 = arith.muli %iota3A_8, %mul3A_10 : vector<32x16384xi32>
    %add3A_12 = arith.addi %mul3A_11, %reshape3A : vector<32x16384xi32>
    %broadcast_in_dim3A_13 = arith.constant 0 : i32
    %broadcast_in_dim3A_14 = vector.broadcast %broadcast_in_dim3A_13 : i32 to vector<32x16384xi32>
    %xor3A = arith.constant 928981903 : i32
    %xor3A_15 = arith.constant -841280227 : i32
    %xor3A_16 = arith.xori %xor3A, %xor3A_15 : i32
    %xor3A_17 = arith.constant 466688986 : i32
    %xor3A_18 = arith.xori %xor3A_16, %xor3A_17 : i32
    %add3A_19 = arith.constant 928981903 : i32
    %add3A_20 = vector.broadcast %add3A_19 : i32 to vector<32x16384xi32>
    %add3A_21 = arith.addi %broadcast_in_dim3A_14, %add3A_20 : vector<32x16384xi32>
    %add3A_22 = arith.constant -841280227 : i32
    %add3A_23 = vector.broadcast %add3A_22 : i32 to vector<32x16384xi32>
    %add3A_24 = arith.addi %add3A_12, %add3A_23 : vector<32x16384xi32>
    %add3A_25 = arith.addi %add3A_21, %add3A_24 : vector<32x16384xi32>
    %shift_left3A = arith.constant 13 : i32
    %shift_left3A_26 = vector.broadcast %shift_left3A : i32 to vector<32x16384xi32>
    %shift_left3A_27 = arith.shli %add3A_24, %shift_left3A_26 : vector<32x16384xi32>
    %shift_right_logical3A = arith.constant 19 : i32
    %shift_right_logical3A_28 = vector.broadcast %shift_right_logical3A : i32 to vector<32x16384xi32>
    %shift_right_logical3A_29 = arith.shrui %add3A_24, %shift_right_logical3A_28 : vector<32x16384xi32>
    %or3A = arith.ori %shift_left3A_27, %shift_right_logical3A_29 : vector<32x16384xi32>
    %xor3A_30 = arith.xori %or3A, %add3A_25 : vector<32x16384xi32>
    %add3A_31 = arith.addi %add3A_25, %xor3A_30 : vector<32x16384xi32>
    %shift_left3A_32 = arith.constant 15 : i32
    %shift_left3A_33 = vector.broadcast %shift_left3A_32 : i32 to vector<32x16384xi32>
    %shift_left3A_34 = arith.shli %xor3A_30, %shift_left3A_33 : vector<32x16384xi32>
    %shift_right_logical3A_35 = arith.constant 17 : i32
    %shift_right_logical3A_36 = vector.broadcast %shift_right_logical3A_35 : i32 to vector<32x16384xi32>
    %shift_right_logical3A_37 = arith.shrui %xor3A_30, %shift_right_logical3A_36 : vector<32x16384xi32>
    %or3A_38 = arith.ori %shift_left3A_34, %shift_right_logical3A_37 : vector<32x16384xi32>
    %xor3A_39 = arith.xori %or3A_38, %add3A_31 : vector<32x16384xi32>
    %add3A_40 = arith.addi %add3A_31, %xor3A_39 : vector<32x16384xi32>
    %shift_left3A_41 = arith.constant 26 : i32
    %shift_left3A_42 = vector.broadcast %shift_left3A_41 : i32 to vector<32x16384xi32>
    %shift_left3A_43 = arith.shli %xor3A_39, %shift_left3A_42 : vector<32x16384xi32>
    %shift_right_logical3A_44 = arith.constant 6 : i32
    %shift_right_logical3A_45 = vector.broadcast %shift_right_logical3A_44 : i32 to vector<32x16384xi32>
    %shift_right_logical3A_46 = arith.shrui %xor3A_39, %shift_right_logical3A_45 : vector<32x16384xi32>
    %or3A_47 = arith.ori %shift_left3A_43, %shift_right_logical3A_46 : vector<32x16384xi32>
    %xor3A_48 = arith.xori %or3A_47, %add3A_40 : vector<32x16384xi32>
    %add3A_49 = arith.addi %add3A_40, %xor3A_48 : vector<32x16384xi32>
    %shift_left3A_50 = arith.constant 6 : i32
    %shift_left3A_51 = vector.broadcast %shift_left3A_50 : i32 to vector<32x16384xi32>
    %shift_left3A_52 = arith.shli %xor3A_48, %shift_left3A_51 : vector<32x16384xi32>
    %shift_right_logical3A_53 = arith.constant 26 : i32
    %shift_right_logical3A_54 = vector.broadcast %shift_right_logical3A_53 : i32 to vector<32x16384xi32>
    %shift_right_logical3A_55 = arith.shrui %xor3A_48, %shift_right_logical3A_54 : vector<32x16384xi32>
    %or3A_56 = arith.ori %shift_left3A_52, %shift_right_logical3A_55 : vector<32x16384xi32>
    %xor3A_57 = arith.xori %or3A_56, %add3A_49 : vector<32x16384xi32>
    %add3A_58 = arith.constant -841280227 : i32
    %add3A_59 = vector.broadcast %add3A_58 : i32 to vector<32x16384xi32>
    %add3A_60 = arith.addi %add3A_49, %add3A_59 : vector<32x16384xi32>
    %add3A_61 = vector.broadcast %xor3A_18 : i32 to vector<32x16384xi32>
    %add3A_62 = arith.addi %xor3A_57, %add3A_61 : vector<32x16384xi32>
    %add3A_63 = arith.constant 1 : i32
    %add3A_64 = vector.broadcast %add3A_63 : i32 to vector<32x16384xi32>
    %add3A_65 = arith.addi %add3A_62, %add3A_64 : vector<32x16384xi32>
    %add3A_66 = arith.addi %add3A_60, %add3A_65 : vector<32x16384xi32>
    %shift_left3A_67 = arith.constant 17 : i32
    %shift_left3A_68 = vector.broadcast %shift_left3A_67 : i32 to vector<32x16384xi32>
    %shift_left3A_69 = arith.shli %add3A_65, %shift_left3A_68 : vector<32x16384xi32>
    %shift_right_logical3A_70 = arith.constant 15 : i32
    %shift_right_logical3A_71 = vector.broadcast %shift_right_logical3A_70 : i32 to vector<32x16384xi32>
    %shift_right_logical3A_72 = arith.shrui %add3A_65, %shift_right_logical3A_71 : vector<32x16384xi32>
    %or3A_73 = arith.ori %shift_left3A_69, %shift_right_logical3A_72 : vector<32x16384xi32>
    %xor3A_74 = arith.xori %or3A_73, %add3A_66 : vector<32x16384xi32>
    %add3A_75 = arith.addi %add3A_66, %xor3A_74 : vector<32x16384xi32>
    %shift_left3A_76 = arith.constant 29 : i32
    %shift_left3A_77 = vector.broadcast %shift_left3A_76 : i32 to vector<32x16384xi32>
    %shift_left3A_78 = arith.shli %xor3A_74, %shift_left3A_77 : vector<32x16384xi32>
    %shift_right_logical3A_79 = arith.constant 3 : i32
    %shift_right_logical3A_80 = vector.broadcast %shift_right_logical3A_79 : i32 to vector<32x16384xi32>
    %shift_right_logical3A_81 = arith.shrui %xor3A_74, %shift_right_logical3A_80 : vector<32x16384xi32>
    %or3A_82 = arith.ori %shift_left3A_78, %shift_right_logical3A_81 : vector<32x16384xi32>
    %xor3A_83 = arith.xori %or3A_82, %add3A_75 : vector<32x16384xi32>
    %add3A_84 = arith.addi %add3A_75, %xor3A_83 : vector<32x16384xi32>
    %shift_left3A_85 = arith.constant 16 : i32
    %shift_left3A_86 = vector.broadcast %shift_left3A_85 : i32 to vector<32x16384xi32>
    %shift_left3A_87 = arith.shli %xor3A_83, %shift_left3A_86 : vector<32x16384xi32>
    %shift_right_logical3A_88 = arith.constant 16 : i32
    %shift_right_logical3A_89 = vector.broadcast %shift_right_logical3A_88 : i32 to vector<32x16384xi32>
    %shift_right_logical3A_90 = arith.shrui %xor3A_83, %shift_right_logical3A_89 : vector<32x16384xi32>
    %or3A_91 = arith.ori %shift_left3A_87, %shift_right_logical3A_90 : vector<32x16384xi32>
    %xor3A_92 = arith.xori %or3A_91, %add3A_84 : vector<32x16384xi32>
    %add3A_93 = arith.addi %add3A_84, %xor3A_92 : vector<32x16384xi32>
    %shift_left3A_94 = arith.constant 24 : i32
    %shift_left3A_95 = vector.broadcast %shift_left3A_94 : i32 to vector<32x16384xi32>
    %shift_left3A_96 = arith.shli %xor3A_92, %shift_left3A_95 : vector<32x16384xi32>
    %shift_right_logical3A_97 = arith.constant 8 : i32
    %shift_right_logical3A_98 = vector.broadcast %shift_right_logical3A_97 : i32 to vector<32x16384xi32>
    %shift_right_logical3A_99 = arith.shrui %xor3A_92, %shift_right_logical3A_98 : vector<32x16384xi32>
    %or3A_100 = arith.ori %shift_left3A_96, %shift_right_logical3A_99 : vector<32x16384xi32>
    %xor3A_101 = arith.xori %or3A_100, %add3A_93 : vector<32x16384xi32>
    %add3A_102 = vector.broadcast %xor3A_18 : i32 to vector<32x16384xi32>
    %add3A_103 = arith.addi %add3A_93, %add3A_102 : vector<32x16384xi32>
    %add3A_104 = arith.constant 928981903 : i32
    %add3A_105 = vector.broadcast %add3A_104 : i32 to vector<32x16384xi32>
    %add3A_106 = arith.addi %xor3A_101, %add3A_105 : vector<32x16384xi32>
    %add3A_107 = arith.constant 2 : i32
    %add3A_108 = vector.broadcast %add3A_107 : i32 to vector<32x16384xi32>
    %add3A_109 = arith.addi %add3A_106, %add3A_108 : vector<32x16384xi32>
    %add3A_110 = arith.addi %add3A_103, %add3A_109 : vector<32x16384xi32>
    %shift_left3A_111 = arith.constant 13 : i32
    %shift_left3A_112 = vector.broadcast %shift_left3A_111 : i32 to vector<32x16384xi32>
    %shift_left3A_113 = arith.shli %add3A_109, %shift_left3A_112 : vector<32x16384xi32>
    %shift_right_logical3A_114 = arith.constant 19 : i32
    %shift_right_logical3A_115 = vector.broadcast %shift_right_logical3A_114 : i32 to vector<32x16384xi32>
    %shift_right_logical3A_116 = arith.shrui %add3A_109, %shift_right_logical3A_115 : vector<32x16384xi32>
    %or3A_117 = arith.ori %shift_left3A_113, %shift_right_logical3A_116 : vector<32x16384xi32>
    %xor3A_118 = arith.xori %or3A_117, %add3A_110 : vector<32x16384xi32>
    %add3A_119 = arith.addi %add3A_110, %xor3A_118 : vector<32x16384xi32>
    %shift_left3A_120 = arith.constant 15 : i32
    %shift_left3A_121 = vector.broadcast %shift_left3A_120 : i32 to vector<32x16384xi32>
    %shift_left3A_122 = arith.shli %xor3A_118, %shift_left3A_121 : vector<32x16384xi32>
    %shift_right_logical3A_123 = arith.constant 17 : i32
    %shift_right_logical3A_124 = vector.broadcast %shift_right_logical3A_123 : i32 to vector<32x16384xi32>
    %shift_right_logical3A_125 = arith.shrui %xor3A_118, %shift_right_logical3A_124 : vector<32x16384xi32>
    %or3A_126 = arith.ori %shift_left3A_122, %shift_right_logical3A_125 : vector<32x16384xi32>
    %xor3A_127 = arith.xori %or3A_126, %add3A_119 : vector<32x16384xi32>
    %add3A_128 = arith.addi %add3A_119, %xor3A_127 : vector<32x16384xi32>
    %shift_left3A_129 = arith.constant 26 : i32
    %shift_left3A_130 = vector.broadcast %shift_left3A_129 : i32 to vector<32x16384xi32>
    %shift_left3A_131 = arith.shli %xor3A_127, %shift_left3A_130 : vector<32x16384xi32>
    %shift_right_logical3A_132 = arith.constant 6 : i32
    %shift_right_logical3A_133 = vector.broadcast %shift_right_logical3A_132 : i32 to vector<32x16384xi32>
    %shift_right_logical3A_134 = arith.shrui %xor3A_127, %shift_right_logical3A_133 : vector<32x16384xi32>
    %or3A_135 = arith.ori %shift_left3A_131, %shift_right_logical3A_134 : vector<32x16384xi32>
    %xor3A_136 = arith.xori %or3A_135, %add3A_128 : vector<32x16384xi32>
    %add3A_137 = arith.addi %add3A_128, %xor3A_136 : vector<32x16384xi32>
    %shift_left3A_138 = arith.constant 6 : i32
    %shift_left3A_139 = vector.broadcast %shift_left3A_138 : i32 to vector<32x16384xi32>
    %shift_left3A_140 = arith.shli %xor3A_136, %shift_left3A_139 : vector<32x16384xi32>
    %shift_right_logical3A_141 = arith.constant 26 : i32
    %shift_right_logical3A_142 = vector.broadcast %shift_right_logical3A_141 : i32 to vector<32x16384xi32>
    %shift_right_logical3A_143 = arith.shrui %xor3A_136, %shift_right_logical3A_142 : vector<32x16384xi32>
    %or3A_144 = arith.ori %shift_left3A_140, %shift_right_logical3A_143 : vector<32x16384xi32>
    %xor3A_145 = arith.xori %or3A_144, %add3A_137 : vector<32x16384xi32>
    %add3A_146 = arith.constant 928981903 : i32
    %add3A_147 = vector.broadcast %add3A_146 : i32 to vector<32x16384xi32>
    %add3A_148 = arith.addi %add3A_137, %add3A_147 : vector<32x16384xi32>
    %add3A_149 = arith.constant -841280227 : i32
    %add3A_150 = vector.broadcast %add3A_149 : i32 to vector<32x16384xi32>
    %add3A_151 = arith.addi %xor3A_145, %add3A_150 : vector<32x16384xi32>
    %add3A_152 = arith.constant 3 : i32
    %add3A_153 = vector.broadcast %add3A_152 : i32 to vector<32x16384xi32>
    %add3A_154 = arith.addi %add3A_151, %add3A_153 : vector<32x16384xi32>
    %add3A_155 = arith.addi %add3A_148, %add3A_154 : vector<32x16384xi32>
    %shift_left3A_156 = arith.constant 17 : i32
    %shift_left3A_157 = vector.broadcast %shift_left3A_156 : i32 to vector<32x16384xi32>
    %shift_left3A_158 = arith.shli %add3A_154, %shift_left3A_157 : vector<32x16384xi32>
    %shift_right_logical3A_159 = arith.constant 15 : i32
    %shift_right_logical3A_160 = vector.broadcast %shift_right_logical3A_159 : i32 to vector<32x16384xi32>
    %shift_right_logical3A_161 = arith.shrui %add3A_154, %shift_right_logical3A_160 : vector<32x16384xi32>
    %or3A_162 = arith.ori %shift_left3A_158, %shift_right_logical3A_161 : vector<32x16384xi32>
    %xor3A_163 = arith.xori %or3A_162, %add3A_155 : vector<32x16384xi32>
    %add3A_164 = arith.addi %add3A_155, %xor3A_163 : vector<32x16384xi32>
    %shift_left3A_165 = arith.constant 29 : i32
    %shift_left3A_166 = vector.broadcast %shift_left3A_165 : i32 to vector<32x16384xi32>
    %shift_left3A_167 = arith.shli %xor3A_163, %shift_left3A_166 : vector<32x16384xi32>
    %shift_right_logical3A_168 = arith.constant 3 : i32
    %shift_right_logical3A_169 = vector.broadcast %shift_right_logical3A_168 : i32 to vector<32x16384xi32>
    %shift_right_logical3A_170 = arith.shrui %xor3A_163, %shift_right_logical3A_169 : vector<32x16384xi32>
    %or3A_171 = arith.ori %shift_left3A_167, %shift_right_logical3A_170 : vector<32x16384xi32>
    %xor3A_172 = arith.xori %or3A_171, %add3A_164 : vector<32x16384xi32>
    %add3A_173 = arith.addi %add3A_164, %xor3A_172 : vector<32x16384xi32>
    %shift_left3A_174 = arith.constant 16 : i32
    %shift_left3A_175 = vector.broadcast %shift_left3A_174 : i32 to vector<32x16384xi32>
    %shift_left3A_176 = arith.shli %xor3A_172, %shift_left3A_175 : vector<32x16384xi32>
    %shift_right_logical3A_177 = arith.constant 16 : i32
    %shift_right_logical3A_178 = vector.broadcast %shift_right_logical3A_177 : i32 to vector<32x16384xi32>
    %shift_right_logical3A_179 = arith.shrui %xor3A_172, %shift_right_logical3A_178 : vector<32x16384xi32>
    %or3A_180 = arith.ori %shift_left3A_176, %shift_right_logical3A_179 : vector<32x16384xi32>
    %xor3A_181 = arith.xori %or3A_180, %add3A_173 : vector<32x16384xi32>
    %add3A_182 = arith.addi %add3A_173, %xor3A_181 : vector<32x16384xi32>
    %shift_left3A_183 = arith.constant 24 : i32
    %shift_left3A_184 = vector.broadcast %shift_left3A_183 : i32 to vector<32x16384xi32>
    %shift_left3A_185 = arith.shli %xor3A_181, %shift_left3A_184 : vector<32x16384xi32>
    %shift_right_logical3A_186 = arith.constant 8 : i32
    %shift_right_logical3A_187 = vector.broadcast %shift_right_logical3A_186 : i32 to vector<32x16384xi32>
    %shift_right_logical3A_188 = arith.shrui %xor3A_181, %shift_right_logical3A_187 : vector<32x16384xi32>
    %or3A_189 = arith.ori %shift_left3A_185, %shift_right_logical3A_188 : vector<32x16384xi32>
    %xor3A_190 = arith.xori %or3A_189, %add3A_182 : vector<32x16384xi32>
    %add3A_191 = arith.constant -841280227 : i32
    %add3A_192 = vector.broadcast %add3A_191 : i32 to vector<32x16384xi32>
    %add3A_193 = arith.addi %add3A_182, %add3A_192 : vector<32x16384xi32>
    %add3A_194 = vector.broadcast %xor3A_18 : i32 to vector<32x16384xi32>
    %add3A_195 = arith.addi %xor3A_190, %add3A_194 : vector<32x16384xi32>
    %add3A_196 = arith.constant 4 : i32
    %add3A_197 = vector.broadcast %add3A_196 : i32 to vector<32x16384xi32>
    %add3A_198 = arith.addi %add3A_195, %add3A_197 : vector<32x16384xi32>
    %add3A_199 = arith.addi %add3A_193, %add3A_198 : vector<32x16384xi32>
    %shift_left3A_200 = arith.constant 13 : i32
    %shift_left3A_201 = vector.broadcast %shift_left3A_200 : i32 to vector<32x16384xi32>
    %shift_left3A_202 = arith.shli %add3A_198, %shift_left3A_201 : vector<32x16384xi32>
    %shift_right_logical3A_203 = arith.constant 19 : i32
    %shift_right_logical3A_204 = vector.broadcast %shift_right_logical3A_203 : i32 to vector<32x16384xi32>
    %shift_right_logical3A_205 = arith.shrui %add3A_198, %shift_right_logical3A_204 : vector<32x16384xi32>
    %or3A_206 = arith.ori %shift_left3A_202, %shift_right_logical3A_205 : vector<32x16384xi32>
    %xor3A_207 = arith.xori %or3A_206, %add3A_199 : vector<32x16384xi32>
    %add3A_208 = arith.addi %add3A_199, %xor3A_207 : vector<32x16384xi32>
    %shift_left3A_209 = arith.constant 15 : i32
    %shift_left3A_210 = vector.broadcast %shift_left3A_209 : i32 to vector<32x16384xi32>
    %shift_left3A_211 = arith.shli %xor3A_207, %shift_left3A_210 : vector<32x16384xi32>
    %shift_right_logical3A_212 = arith.constant 17 : i32
    %shift_right_logical3A_213 = vector.broadcast %shift_right_logical3A_212 : i32 to vector<32x16384xi32>
    %shift_right_logical3A_214 = arith.shrui %xor3A_207, %shift_right_logical3A_213 : vector<32x16384xi32>
    %or3A_215 = arith.ori %shift_left3A_211, %shift_right_logical3A_214 : vector<32x16384xi32>
    %xor3A_216 = arith.xori %or3A_215, %add3A_208 : vector<32x16384xi32>
    %add3A_217 = arith.addi %add3A_208, %xor3A_216 : vector<32x16384xi32>
    %shift_left3A_218 = arith.constant 26 : i32
    %shift_left3A_219 = vector.broadcast %shift_left3A_218 : i32 to vector<32x16384xi32>
    %shift_left3A_220 = arith.shli %xor3A_216, %shift_left3A_219 : vector<32x16384xi32>
    %shift_right_logical3A_221 = arith.constant 6 : i32
    %shift_right_logical3A_222 = vector.broadcast %shift_right_logical3A_221 : i32 to vector<32x16384xi32>
    %shift_right_logical3A_223 = arith.shrui %xor3A_216, %shift_right_logical3A_222 : vector<32x16384xi32>
    %or3A_224 = arith.ori %shift_left3A_220, %shift_right_logical3A_223 : vector<32x16384xi32>
    %xor3A_225 = arith.xori %or3A_224, %add3A_217 : vector<32x16384xi32>
    %add3A_226 = arith.addi %add3A_217, %xor3A_225 : vector<32x16384xi32>
    %shift_left3A_227 = arith.constant 6 : i32
    %shift_left3A_228 = vector.broadcast %shift_left3A_227 : i32 to vector<32x16384xi32>
    %shift_left3A_229 = arith.shli %xor3A_225, %shift_left3A_228 : vector<32x16384xi32>
    %shift_right_logical3A_230 = arith.constant 26 : i32
    %shift_right_logical3A_231 = vector.broadcast %shift_right_logical3A_230 : i32 to vector<32x16384xi32>
    %shift_right_logical3A_232 = arith.shrui %xor3A_225, %shift_right_logical3A_231 : vector<32x16384xi32>
    %or3A_233 = arith.ori %shift_left3A_229, %shift_right_logical3A_232 : vector<32x16384xi32>
    %xor3A_234 = arith.xori %or3A_233, %add3A_226 : vector<32x16384xi32>
    %add3A_235 = vector.broadcast %xor3A_18 : i32 to vector<32x16384xi32>
    %add3A_236 = arith.addi %add3A_226, %add3A_235 : vector<32x16384xi32>
    %add3A_237 = arith.constant 928981903 : i32
    %add3A_238 = vector.broadcast %add3A_237 : i32 to vector<32x16384xi32>
    %add3A_239 = arith.addi %xor3A_234, %add3A_238 : vector<32x16384xi32>
    %add3A_240 = arith.constant 5 : i32
    %add3A_241 = vector.broadcast %add3A_240 : i32 to vector<32x16384xi32>
    %add3A_242 = arith.addi %add3A_239, %add3A_241 : vector<32x16384xi32>
    %xor3A_243 = arith.xori %add3A_236, %add3A_242 : vector<32x16384xi32>
    %shift_right_logical3A_244 = arith.constant 9 : i32
    %shift_right_logical3A_245 = vector.broadcast %shift_right_logical3A_244 : i32 to vector<32x16384xi32>
    %shift_right_logical3A_246 = arith.shrui %xor3A_243, %shift_right_logical3A_245 : vector<32x16384xi32>
    %or3A_247 = arith.constant 1065353216 : i32
    %or3A_248 = vector.broadcast %or3A_247 : i32 to vector<32x16384xi32>
    %or3A_249 = arith.ori %shift_right_logical3A_246, %or3A_248 : vector<32x16384xi32>
    %bitcast_convert_type3A = tpu.bitcast %or3A_249 : vector<32x16384xi32> -> vector<32x16384xf32>
    %sub3A = arith.constant 1.000000e+00 : f32
    %sub3A_250 = vector.broadcast %sub3A : f32 to vector<32x16384xf32>
    %sub3A_251 = arith.subf %bitcast_convert_type3A, %sub3A_250 : vector<32x16384xf32>
    %sub3A_252 = arith.constant 1.000000e+00 : f32
    %sub3A_253 = arith.constant 9.99999996E-13 : f32
    %sub3A_254 = arith.subf %sub3A_252, %sub3A_253 : f32
    %mul3A_255 = vector.broadcast %sub3A_254 : f32 to vector<32x16384xf32>
    %mul3A_256 = arith.mulf %sub3A_251, %mul3A_255 : vector<32x16384xf32>
    %add3A_257 = arith.constant 9.99999996E-13 : f32
    %add3A_258 = vector.broadcast %add3A_257 : f32 to vector<32x16384xf32>
    %add3A_259 = arith.addf %mul3A_256, %add3A_258 : vector<32x16384xf32>
    %max3A = arith.constant 9.99999996E-13 : f32
    %max3A_260 = vector.broadcast %max3A : f32 to vector<32x16384xf32>
    %max3A_261 = arith.maximumf %max3A_260, %add3A_259 : vector<32x16384xf32>
    %log3A = math.log %max3A_261 : vector<32x16384xf32>
    %div3A = arith.divf %log3A, %get3A_7 : vector<32x16384xf32>
    %lt3A = arith.constant 1000000 : i32
    %lt3A_262 = vector.broadcast %lt3A : i32 to vector<32x16384xi32>
    %lt3A_263 = arith.cmpi slt, %reshape3A, %lt3A_262 : vector<32x16384xi32>
    %jit3A = arith.constant 0xFF800000 : f32
    %broadcast_in_dim3A_264 = vector.broadcast %jit3A : f32 to vector<32x16384xf32>
    %select_n3A = arith.select %lt3A_263, %div3A, %broadcast_in_dim3A_264 : vector<32x16384xi1>, vector<32x16384xf32>
    %swap3A = arith.constant 0 : index
    %swap3A_265 = arith.constant 0 : index
    %swap3A_266 = vector.load %arg3[%swap3A, %swap3A_265] : memref<32x16384xf32, #tpu.memory_space<vmem>>, vector<32x16384xf32>
    tpu.vector_store %arg3[%swap3A, %swap3A_265], %select_n3A {strides = array<i32>} : memref<32x16384xf32, #tpu.memory_space<vmem>>, vector<32x16384xf32>,
    %swap3A_267 = arith.constant 0 : index
    %swap3A_268 = arith.constant 0 : index
    %swap3A_269 = vector.load %arg4[%swap3A_267, %swap3A_268] : memref<32x16384xi32, #tpu.memory_space<vmem>>, vector<32x16384xi32>
    tpu.vector_store %arg4[%swap3A_267, %swap3A_268], %reshape3A {strides = array<i32>} : memref<32x16384xi32, #tpu.memory_space<vmem>>, vector<32x16384xi32>,
    %broadcast_in_dim3A_270 = arith.constant 0 : i32
    %broadcast_in_dim3A_271 = vector.broadcast %broadcast_in_dim3A_270 : i32 to vector<32x64xi32>
    %swap3A_272 = arith.constant 0 : index
    %swap3A_273 = arith.constant 0 : index
    %swap3A_274 = vector.load %arg2[%swap3A_272, %swap3A_273] : memref<32x64xi32, #tpu.memory_space<vmem>>, vector<32x64xi32>
    tpu.vector_store %arg2[%swap3A_272, %swap3A_273], %broadcast_in_dim3A_271 {strides = array<i32>} : memref<32x64xi32, #tpu.memory_space<vmem>>, vector<32x64xi32>,
    %iota3A_275 = tpu.iota {dimensions = array<i32: 1>} : vector<32x64xi32>
    %scan3A = arith.constant 0 : i32
    %scan3A_276 = arith.constant 64 : i32
    %scan3A_277 = arith.addi %scan3A, %scan3A_276 : i32
    %scan3A_278 = arith.constant 1 : i32
    scf.for %scan3A_280 = %scan3A to %scan3A_277 step %scan3A_278  : i32 {
      %get3A_281 = arith.constant 0 : index
      %get3A_282 = arith.constant 0 : index
      %get3A_283 = vector.load %arg3[%get3A_281, %get3A_282] : memref<32x16384xf32, #tpu.memory_space<vmem>>, vector<32x16384xf32>
      %get3A_284 = arith.constant 0 : index
      %get3A_285 = arith.constant 0 : index
      %get3A_286 = vector.load %arg4[%get3A_284, %get3A_285] : memref<32x16384xi32, #tpu.memory_space<vmem>>, vector<32x16384xi32>
      %reduce_max3A = arith.constant dense<0xFF800000> : vector<32xf32>
      %reduce_max3A_287 = vector.multi_reduction <maximumf>, %get3A_283, %reduce_max3A [1] : vector<32x16384xf32> to vector<32xf32>
      %broadcast_in_dim3A_288 = vector.shape_cast %reduce_max3A_287 : vector<32xf32> to vector<32x1xf32>
      %eq3A = vector.broadcast %broadcast_in_dim3A_288 : vector<32x1xf32> to vector<32x16384xf32>
      %eq3A_289 = arith.cmpf oeq, %get3A_283, %eq3A : vector<32x16384xf32>
      %jit3A_290 = arith.constant 1073741824 : i32
      %broadcast_in_dim3A_291 = vector.broadcast %jit3A_290 : i32 to vector<32x16384xi32>
      %select_n3A_292 = arith.select %eq3A_289, %get3A_286, %broadcast_in_dim3A_291 : vector<32x16384xi1>, vector<32x16384xi32>
      %reduce_min3A = arith.constant dense<2147483647> : vector<32xi32>
      %reduce_min3A_293 = vector.multi_reduction <minsi>, %select_n3A_292, %reduce_min3A [1] : vector<32x16384xi32> to vector<32xi32>
      %broadcast_in_dim3A_294 = vector.shape_cast %reduce_min3A_293 : vector<32xi32> to vector<32x1xi32>
      %eq3A_295 = vector.broadcast %scan3A_280 : i32 to vector<32x64xi32>
      %eq3A_296 = arith.cmpi eq, %iota3A_275, %eq3A_295 : vector<32x64xi32>
      %get3A_297 = arith.constant 0 : index
      %get3A_298 = arith.constant 0 : index
      %get3A_299 = vector.load %arg2[%get3A_297, %get3A_298] : memref<32x64xi32, #tpu.memory_space<vmem>>, vector<32x64xi32>
      %broadcast_in_dim3A_300 = vector.shape_cast %broadcast_in_dim3A_294 : vector<32x1xi32> to vector<32x1xi32>
      %broadcast_in_dim3A_301 = vector.broadcast %broadcast_in_dim3A_300 : vector<32x1xi32> to vector<32x64xi32>
      %select_n3A_302 = arith.select %eq3A_296, %broadcast_in_dim3A_301, %get3A_299 : vector<32x64xi1>, vector<32x64xi32>
      %swap3A_303 = arith.constant 0 : index
      %swap3A_304 = arith.constant 0 : index
      %swap3A_305 = vector.load %arg2[%swap3A_303, %swap3A_304] : memref<32x64xi32, #tpu.memory_space<vmem>>, vector<32x64xi32>
      tpu.vector_store %arg2[%swap3A_303, %swap3A_304], %select_n3A_302 {strides = array<i32>} : memref<32x64xi32, #tpu.memory_space<vmem>>, vector<32x64xi32>,
      %eq3A_306 = vector.broadcast %broadcast_in_dim3A_294 : vector<32x1xi32> to vector<32x16384xi32>
      %eq3A_307 = arith.cmpi eq, %get3A_286, %eq3A_306 : vector<32x16384xi32>
      %jit3A_308 = arith.constant 0xFF800000 : f32
      %broadcast_in_dim3A_309 = vector.broadcast %jit3A_308 : f32 to vector<32x16384xf32>
      %select_n3A_310 = arith.select %eq3A_307, %broadcast_in_dim3A_309, %get3A_283 : vector<32x16384xi1>, vector<32x16384xf32>
      %swap3A_311 = arith.constant 0 : index
      %swap3A_312 = arith.constant 0 : index
      %swap3A_313 = vector.load %arg3[%swap3A_311, %swap3A_312] : memref<32x16384xf32, #tpu.memory_space<vmem>>, vector<32x16384xf32>
      tpu.vector_store %arg3[%swap3A_311, %swap3A_312], %select_n3A_310 {strides = array<i32>} : memref<32x16384xf32, #tpu.memory_space<vmem>>, vector<32x16384xf32>,
    }
    %scan3A_279 = arith.constant 64 : i32
    return
  }
}

</mosaic_0001>

<sc_bundles>
// kernel: gather_offload_async_start
scs
__scs_entry_jumppad:
0x0: {  	(pc) =	sbr.rel $0x88, $3  }
0x1: {  	(tag) =	ssettag $0x0;
	lr =	simm.s32 $0x1  }
0x2: {  	[smem:$0x3FA0] =	sst lr;
	_ =	strace $0xD0000000  }
0x3: {  	_ = 	snop  }
0x4: {  	_ = 	snop  }
0x5: {  	_ = 	snop  }
0x6: {  	_ = 	snop  }
0x7: {  	_ = 	snop  }
__scs_overlays_trampoline_lowered:
0x8: {  	[smem:$0x3FAF] =	sst s0  }
0x9: {  	[smem:$0x3FB0] =	sst s1  }
0xa: {  	[smem:$0x3FB1] =	sst s2  }
0xb: {  	[smem:$0x3FB2] =	sst s3  }
0xc: {  	[smem:$0x3FB3] =	sst s4  }
0xd: {  	[smem:$0x3FB4] =	sst s5  }
0xe: {  	[smem:$0x3FB5] =	sst s6  }
0xf: {  	[smem:$0x3FB6] =	sst s7  }
0x10: {  	[smem:$0x3FB7] =	sst s8  }
0x11: {  	[smem:$0x3FB8] =	sst s9;
	s0 =	simm.s32 @!p0 $0x0  }
0x12: {  	s1 =	sld [smem:$0x3F9E];
	s0 =	simm.s32 @p0 $0x1  }
0x13: {  	[smem:$0x3FB9] =	sst s0;
	s0 =	simm.s32 @!p1 $0x0  }
0x14: {  	s2 =	sld [smem:$0x3F9D];
	s0 =	simm.s32 @p1 $0x1  }
0x15: {  	[smem:$0x3FBA] =	sst s0;
	s0 =	simm.s32 @!p2 $0x0  }
0x16: {  	s3 =	sld [smem:$0x3FDB];
	s0 =	simm.s32 @p2 $0x1  }
0x17: {  	s4 =	simm.s32 $0x1BF5;
	[smem:$0x3FBC] =	sst s0  }
0x18: {  	s0 =	sld [smem:$0x3F9F];
	_ =	swait.ge [sflag:s4], $0x0  }
0x19: {  	s7 =	sld [smem:$0x3FA0]  }
0x1a: {  	s8 =	sadd.s32 $0xFFFFE003, lr  }
0x1b: {  	s9 =	sadd.s32 $0xFFFFFEF7, lr;
	s5 =	simm.s32 $0xFFFFFFFF;
	p2 =	slt.u32 s8, $0xFFFFF086  }
0x1c: {  	p1 =	slt.u32 s9, $0xF7A;
	s5 =	simm.s32 @!p2 $0x0  }
0x1d: {  	s5 =	simm.s32 @p1 $0x1;
	p0 =	seq.s32 s7, s2  }
0x1e: {  	s7 =	smul.u32 @!p0 $0xF7A, s2;
	p2 =	seq.s32 @!p0 s5, $0x0  }
0x1f: {  	s9 =	smul.u32 $0xF7A, s1;
	s8 =	simm.s32 @!p0 $0x1BF5;
	p2 =	por !p2, p0  }
0x20: {  	[sflag:s8] =	ssyncset.s32 @!p0 $0xFFFFF086;
	s6 =	sadd.s32 @!p0 s3, s7;
	s7 =	simm.s32 @!p0 $0x108  }
0x21: {  	s3 =	sadd.s32 s3, s9;
	s6 =	sadd.s32 @!p0 $0x88, s6;
	s7 =	simm.s32 @p2 $0x1082  }
0x22: {  	[simem:s7], [sflag:s8] =	dma.local @!p0 [hbm:s6], $0xF7A  }
0x23: {  	s9 =	sor.u32 $0xD0000000, s2;
	s6 =	simm.s32 $0x108;
	_ =	swait.ge @!p0 [sflag:s8], $0x0  }
0x24: {  	s3 =	sadd.s32 $0x88, s3;
	s6 =	simm.s32 @!p1 $0x1082;
	[sflag:s4] =	ssyncset.s32 $0xFFFFF086  }
0x25: {  	[simem:s6], [sflag:s4] =	dma.local [hbm:s3], $0xF7A  }
0x26: {  	[smem:$0x3FA0] =	sst s1;
	(tag) =	ssettag s2;
	_ =	strace s9  }
0x27: {  	s1 =	sld [smem:$0x3FB0]  }
0x28: {  	s2 =	sld [smem:$0x3FB1]  }
0x29: {  	s4 =	sld [smem:$0x3FB3]  }
0x2a: {  	p0 =	seq.s32 s5, $0x0;
	s5 =	sld [smem:$0x3FB4]  }
0x2b: {  	s6 =	sld [smem:$0x3FB5]  }
0x2c: {  	s7 =	sld [smem:$0x3FB6]  }
0x2d: {  	s3 =	simm.s32 $0x108;
	s8 =	sld [smem:$0x3FB7]  }
0x2e: {  	s3 =	simm.s32 @!p0 $0x1082;
	s9 =	sld [smem:$0x3FB8]  }
0x2f: {  	lr =	sadd.s32 s0, s3;
	s0 =	sld [smem:$0x3FAF]  }
0x30: {  	s3 =	sld [smem:$0x3FB2]  }
0x31: {  	[smem:$0x3FBB] =	sst s10  }
0x32: {  	s10 =	sld [smem:$0x3FB9];
	_ =	sdelay $0x3  }
0x33: {  	p0 =	seq.s32 s10, $0x1;
	s10 =	sld [smem:$0x3FBB];
	_ =	sdelay $0x3  }
0x34: {  	[smem:$0x3FBB] =	sst s10  }
0x35: {  	s10 =	sld [smem:$0x3FBA];
	_ =	sdelay $0x3  }
0x36: {  	p1 =	seq.s32 s10, $0x1;
	s10 =	sld [smem:$0x3FBB];
	_ =	sdelay $0x3  }
0x37: {  	[smem:$0x3FBB] =	sst s10  }
0x38: {  	s10 =	sld [smem:$0x3FBC]  }
0x39: {  	_ = 	snop;
	(pc) =	sbr.ind lr, $3  }
0x3a: {  	_ = 	snop  }
0x3b: {  	_ = 	snop  }
0x3c: {  	p2 =	seq.s32 s10, $0x1;
	s10 =	sld [smem:$0x3FBB]  }
0x3d: {  	_ =	shalt  }
0x3e: {  	_ =	shalt  }
0x3f: {  	_ =	shalt  }
0x40: {  	_ =	shalt  }
0x41: {  	_ =	shalt  }
0x42: {  	_ =	shalt  }
0x43: {  	_ =	shalt  }
0x44: {  	_ =	shalt  }
0x45: {  	_ =	shalt  }
0x46: {  	_ =	shalt  }
0x47: {  	_ =	shalt  }
0x48: {  	_ =	shalt  }
0x49: {  	_ =	shalt  }
0x4a: {  	_ =	shalt  }
0x4b: {  	_ =	shalt  }
0x4c: {  	_ =	shalt  }
0x4d: {  	_ =	shalt  }
0x4e: {  	_ =	shalt  }
0x4f: {  	_ =	shalt  }
0x50: {  	_ =	shalt  }
0x51: {  	_ =	shalt  }
0x52: {  	_ =	shalt  }
0x53: {  	_ =	shalt  }
0x54: {  	_ =	shalt  }
0x55: {  	_ =	shalt  }
0x56: {  	_ =	shalt  }
0x57: {  	_ =	shalt  }
0x58: {  	_ =	shalt  }
0x59: {  	_ =	shalt  }
0x5a: {  	_ =	shalt  }
0x5b: {  	_ =	shalt  }
0x5c: {  	_ =	shalt  }
0x5d: {  	_ =	shalt  }
0x5e: {  	_ =	shalt  }
0x5f: {  	_ =	shalt  }
0x60: {  	_ =	shalt  }
0x61: {  	_ =	shalt  }
0x62: {  	_ =	shalt  }
0x63: {  	_ =	shalt  }
0x64: {  	_ =	shalt  }
0x65: {  	_ =	shalt  }
0x66: {  	_ =	shalt  }
0x67: {  	_ =	shalt  }
0x68: {  	_ =	shalt  }
0x69: {  	_ =	shalt  }
0x6a: {  	_ =	shalt  }
0x6b: {  	_ =	shalt  }
0x6c: {  	_ =	shalt  }
0x6d: {  	_ =	shalt  }
0x6e: {  	_ =	shalt  }
0x6f: {  	_ =	shalt  }
0x70: {  	_ =	shalt  }
0x71: {  	_ =	shalt  }
0x72: {  	_ =	shalt  }
0x73: {  	_ =	shalt  }
0x74: {  	_ =	shalt  }
0x75: {  	_ =	shalt  }
0x76: {  	_ =	shalt  }
0x77: {  	_ =	shalt  }
0x78: {  	_ =	shalt  }
0x79: {  	_ =	shalt  }
0x7a: {  	_ =	shalt  }
0x7b: {  	_ =	shalt  }
0x7c: {  	_ =	shalt  }
0x7d: {  	_ =	shalt  }
0x7e: {  	_ =	shalt  }
0x7f: {  	_ =	shalt  }
0x80: {  	_ =	shalt  }
0x81: {  	_ =	shalt  }
0x82: {  	_ =	shalt  }
0x83: {  	_ =	shalt  }
0x84: {  	_ =	shalt  }
0x85: {  	_ =	shalt  }
0x86: {  	_ =	shalt  }
0x87: {  	_ =	shalt  }
.Lfunc_end0:
.L_simem_size_0:
called_computation.1_lowered:
.L_overlay_start_0:
0x88: {  	s2 =	sld [smem:$0x3FD9]  }
0x89: {  	s3 =	sld [smem:$0x3FFE];
	_ =	sdelay $0x1  }
0x8a: {  	s1 =	srdreg.scid  }
0x8b: {  	s0 =	sand.u32 $0x1, s1  }
0x8c: {  	s16 =	sshll.u32 s0, $0xA;
	s2 =	sadd.s32 s3, s2  }
0x8d: {  	s2 =	sadd.s32 s2, s16  }
0x8e: {  	[smem:$0x3FC7] =	sst s2  }
0x8f: {  	_ = 	snop  }
0x90: {  	(tm) =	ssettm $0x1  }
0x91: {  	s17 =	sld [smem:$0x3FFB];
	_ =	sdelay $0x3  }
0x92: {  	_ =	strace s17  }
0x93: {  	s2 =	sld [smem:$0x3FFC];
	_ =	sdelay $0x3  }
0x94: {  	_ =	strace s2  }
0x95: {  	s2 =	sld [smem:$0x3FFD];
	_ =	sdelay $0x3  }
0x96: {  	_ =	strace s2  }
0x97: {  	_ =	strace $0x8FFFFFFF  }
0x98: {  	s18 =	sld [smem:$0x3FDB];
	_ =	sdelay $0x1  }
0x99: {  	s19 =	simm.s32 $_scs_section_size  }
0x9a: {  	s4 =	simm.s32 $_size__tile_overlayer_lowered;
	s5 =	simm.s32 $_tile_overlayer_lowered  }
0x9b: {  	s22 =	simm.s32 $0x1BFF;
	s21 =	sshll.u32 s5, $0x1;
	s2 =	sadd.s32 s19, s18  }
0x9c: {  	s6 =	simm.s32 $0x0;
	s20 =	sshll.u32 s4, $0x1;
	s4 =	sadd.s32 s21, s2  }
0x9d: {  	[timem:s6], [sflag:s22] =	dma.local [hbm:s4], s20  }
0x9e: {  	_ =	swait.ge [sflag:s22], s20  }
0x9f: {  	s3 =	ssub.s32 $0x0, s20;
	[sflag:s22] =	ssyncset.done $0x0  }
0xa0: {  	[sflag:s22] =	ssyncadd.s32 s3;
	_ =	sdelay $0x1  }
0xa1: {  	s23 =	simm.s32 $0x1B8B  }
0xa2: {  	_ =	swait.ge [sflag:s23], $0x1  }
0xa3: {  	[sflag:s23] =	ssyncset.done $0x0  }
0xa4: {  	s25 =	simm.s32 $0x1B8E;
	s24 =	sld [smem:$0x3FFE];
	[sflag:s23] =	ssyncadd.s32 $0xFFFFFFFF  }
0xa5: {  	s26 =	simm.s32 $execute0_lowered;
	[smem:$0x3FD2] =	sst s25  }
0xa6: {  	s4 =	sshll.u32 s26, $0x1;
	_ =	strace $0x80000049;
	[dreg:$0x1] =	wrdreg $0xFFFFFFFF  }
0xa7: {  	s28 =	simm.s32 $_size_execute0_lowered;
	s2 =	sadd.s32 s2, s4;
	[dreg:$0x0] =	wrdreg $0x0  }
0xa8: {  	s4 =	sshll.u32 s28, $0x1;
	[dreg:$0x2] =	wrdreg s2  }
0xa9: {  	[dreg:$0x3] =	wrdreg s4  }
0xaa: {  	[dreg:$0x4] =	wrdreg $0xC0  }
0xab: {  	_ =	task [dreg:s6], $0x5FFFF  }
0xac: {  	[dreg:$0x1] =	wrdreg $0xFFFFFFFF  }
0xad: {  	[dreg:$0x0] =	wrdreg $0x60  }
0xae: {  	[dreg:$0x2] =	wrdreg s24  }
0xaf: {  	[dreg:$0x3] =	wrdreg $0x9  }
0xb0: {  	_ =	task.clear_ibuf [dreg:s6], $0x4FFFF;
	_ =	strace $0x90000049  }
0xb1: {  	s29 =	simm.s32 $0x9;
	_ =	strace $0x8000004B  }
0xb2: {  	_ =	swait.ge [sflag:s29], $0x1  }
0xb3: {  	[sflag:s29] =	ssyncadd.s32 $0xFFFFFFFF  }
0xb4: {  	_ =	strace $0x9000004B  }
0xb5: {  	_ =	sfence  }
0xb6: {  	s30 =	sld [smem:$0x0];
	_ =	sdelay $0x2  }
0xb7: {  	s31 =	sshll.u32 s1, $0xD;
	s1 =	sshrl.u32 s1, $0x2  }
0xb8: {  	s3 =	sand.u32 $0x4000, s31;
	s1 =	sadd.s32 s1, s30  }
0xb9: {  	s0 =	sor.u32 s3, s0;
	s1 =	sshll.u32 s1, $0x11  }
0xba: {  	s0 =	sor.u32 s1, s0  }
0xbb: {  	s0 =	sadd.s32 $0x8F2B, s0  }
0xbc: {  	[sflag:s0] =	ssyncadd.remote.s32 $0x1  }
0xbd: {  	_ =	sfence.sel $0xFFFF  }
0xbe: {  	[dreg:$0x0] =	wrdreg $0xFFFFFFFF;
	(pc) =	sbr.abs _section_cstart, $3  }
0xbf: {  	[dreg:$0x1] =	wrdreg $0xFFFFFFFF  }
0xc0: {  	_ =	task.clear_ibuf [dreg:s6], $0x2FFFF;
	_ =	strace $0x9FFFFFFF  }
0xc1: {  	(tm) =	ssettm $0x7FFFFFFF  }
tec
execute0_lowered:
.L_overlay_start_1:
0x0: {  	(tag) =	ssettag $0x1  }
0x1: {  	s1 =	srdreg.scid  }
0x2: {  	s0 =	stileid.u32;
	s9 =	rddreg [dreg:$0x0];
	s5 =	simm.s32 $0x1  }
0x3: {  	s6 =	simm.s32 $0x2;
	s11 =	simm.s32 $0x3;
	s1 =	sshll.u32 s1, $0xA  }
0x4: {  	s13 =	simm.s32 $0x0;
	s2 =	sshll.u32 s0, $0xB;
	s1 =	sand.u32 $0x400, s1  }
0x5: {  	s12 =	simm.s32 $0x0;
	s3 =	sadd.s32 $0x1E85600, s9;
	s2 =	sor.u32 s2, s1  }
0x6: {  	s1 =	rddreg [dreg:$0x1];
	_ =	strace $0x8000004A;
	s4 =	sshrl.u32 s2, $0x3  }
0x7: {  	s7 =	ssub.s32 $0x8000, s2;
	[sflag:s5] =	ssyncpa.u1 $0x0;
	s8 =	sadd.s32 s4, s9  }
.Ltmp0:
0x8: {  	s4 =	sadd.s32 $0xE00, s9;
	s10 =	sand.u32 $0x7C00, s7;
	(pc) =	sbr.rel .LBB2_1-.Ltmp0, $4  }
0x9: {  	[sflag:s6] =	ssyncpa.u1 $0x0;
	p0 =	sne.s32 s10, $0x0;
	s10 =	simm.s32 $0x1  }
0xa: {  	s7 =	sshrl.u32 s7, $0xF;
	s9 =	sadd.s32 $0x8E00, s9;
	s10 =	simm.s32 @!p0 $0x0  }
0xb: {  	[sflag:s11] =	ssyncpa.u1 $0x0;
	s8 =	sadd.s32 $0x2256000, s8;
	s7 =	sadd.s32 s10, s7  }
0xc: {  	vm0 =	vmmov $0xffff;
	s11 =	simm.s32 $0x0;
	p0 =	por $0x0, $0x0;
	s10 =	sadd.s32 $0x1, s7  }
.LBB2_4:
0xd: {  	_ =	sdelay $0x3  }
0xe: {  	[tilespmem:s19], [sflag:$0x1] =	stream.indirect_vreg.gather [hbm4b:s3+s11], $0x1, v0, vm0, $0x4038;
	[tilespmem:$0x8800] =	vst v63  }
0xf: {  	s16 =	sshll.u32 s13, $0x3  }
0x10: {  	s30 =	sand.u32 $0x78, s13;
	s16 =	sand.u32 $0x7FFFFC00, s16  }
0x11: {  	_ =	swait.ge [sflag:s5], $0x4000;
	s13 =	sor.u32 s30, s16  }
0x12: {  	[sflag:s5] =	ssyncset.done $0x0;
	s13 =	sshrl.u32 s13, $0x3  }
0x13: {  	[sflag:s5] =	ssyncadd.s32 $0xFFFFC000;
	s31 =	sadd.s32 s4, s13  }
0x14: {  	[hbm:s31] =	stream.linear.scatter [tilespmem:s15], [sflag:$0x3], $0x2000, $0x38;
	[tilespmem:$0x8800] =	vst v63  }
0x15: {  	s14 =	sadd.s32 $0x2800, s14;
	s13 =	sadd.s32 s13, s9  }
0x16: {  	[hbm:s13] =	stream.linear.scatter [tilespmem:s14], [sflag:$0x3], $0x2000, $0x38;
	[tilespmem:$0x8800] =	vst v63  }
.LBB2_5:
0x17: {  	p2 =	sne.s32 s12, s10  }
.Ltmp1:
0x18: {  	p1 =	slt.u32 s12, $0x2;
	(pc) =	sbr.rel @!p2 .LBB2_6-.Ltmp1, $4  }
0x19: {  	s13 =	simm.s32 @!p1 $0x3  }
0x1a: {  	_ =	swait.ge @!p1 [sflag:s13], $0x4000  }
0x1b: {  	s14 =	sadd.s32 $0x1, s12;
	p0 =	por !p0, !p0;
	[sflag:s13] =	ssyncset.done @!p1 $0x0  }
0x1c: {  	s12 =	smov.u32 s14;
	[sflag:s13] =	ssyncadd.s32 @!p1 $0xFFFFC000;
	s13 =	smov.u32 s2  }
.LBB2_1:
0x1d: {  	p1 =	sge.u32 s12, s7  }
0x1e: {  	s14 =	sxor.u32 @!p1 $0xFFFFFFFF, s12  }
0x1f: {  	s14 =	sshll.u32 @!p1 s14, $0xA  }
0x20: {  	s31 =	sadd.s32 $0xFFFFFFFF, s12;
	s15 =	simm.s32 @!p1 $0x0;
	s14 =	sand.u32 @!p1 $0x400, s14  }
0x21: {  	[tilespmem:s14], [sflag:$0x2] =	stream.linear.gather @!p1 [hbm4b:s8+s15], $0x400, $0x38;
	[tilespmem:$0x8800] =	vst v63  }
0x22: {  	p1 =	sge.u32 s31, s7  }
.Ltmp2:
0x23: {  	_ = 	snop;
	(pc) =	sbr.rel @p1 .LBB2_5-.Ltmp2, $1  }
0x24: {  	_ =	sdelay $0x3  }
0x25: {  	s14 =	simm.s32 $0x1;
	_ =	swait.ge [sflag:s6], $0x400  }
0x26: {  	s14 =	simm.s32 @!p0 $0x0;
	[sflag:s6] =	ssyncset.done $0x0  }
0x27: {  	s17 =	sshll.u32 s14, $0xA;
	[sflag:s6] =	ssyncadd.s32 $0xFFFFFC00  }
0x28: {  	v0 =	vld.msk [tilespmem:s17+$0x0 ss:$0x1], $0xffff;
	_ =	sdelay $0x4  }
0x29: {  	vm1 =	vgt.s32 v0, $0x0  }
0x2a: {  	v0 =	vnsel vm1, $0x0, v0  }
0x2b: {  	v0 =	vmin.u32 v0, $0x1E847F  }
0x2c: {  	v1 =	vshll.u32 v0, $0x3  }
0x2d: {  	v0 =	vand.u32 $0x7F, v0;
	v1 =	vand.u32 $0xFFFC00, v1  }
0x2e: {  	s30 =	sshll.u32 s12, $0xE;
	v0 =	vor.u32 v0, v1  }
0x2f: {  	s16 =	simm.s32 $0x0;
	s14 =	sand.u32 $0x4000, s30  }
0x30: {  	s18 =	sand.u32 $0x1C00, s16;
	s15 =	sor.u32 $0x800, s14  }
0x31: {  	s19 =	sand.u32 $0x70, s16;
	(ifvalue) =	ssetifvalue $0x7FFFFFFF;
	s18 =	sadd.s32 s18, s15;
	v1 =	vor.u32 $0x80, v0  }
0x32: {  	(ifvalue) =	ssetifvalue $0x7FFFFFFF;
	s18 =	sadd.s32 s19, s18  }
0x33: {  	[tilespmem:s18], [sflag:$0x1] =	stream.indirect_vreg.gather [hbm4b:s3+s11], $0x1, v0, vm0, $0x4038;
	[tilespmem:$0x8800] =	vst v63  }
0x34: {  	v2 =	vor.u32 $0x100, v0;
	(ifvalue) =	ssetifvalue $0x7FFFFFFF  }
0x35: {  	s19 =	sadd.s32 $0x80, s18;
	(ifvalue) =	ssetifvalue $0x7FFFFFFF  }
0x36: {  	[tilespmem:s19], [sflag:$0x1] =	stream.indirect_vreg.gather [hbm4b:s3+s11], $0x1, v1, vm0, $0x4038;
	[tilespmem:$0x8800] =	vst v63  }
0x37: {  	v1 =	vor.u32 $0x180, v0;
	(ifvalue) =	ssetifvalue $0x7FFFFFFF  }
0x38: {  	s31 =	sadd.s32 $0x100, s18;
	(ifvalue) =	ssetifvalue $0x7FFFFFFF  }
0x39: {  	[tilespmem:s31], [sflag:$0x1] =	stream.indirect_vreg.gather [hbm4b:s3+s11], $0x1, v2, vm0, $0x4038;
	[tilespmem:$0x8800] =	vst v63  }
0x3a: {  	v2 =	vor.u32 $0x200, v0;
	(ifvalue) =	ssetifvalue $0x7FFFFFFF  }
0x3b: {  	s20 =	sadd.s32 $0x180, s18;
	(ifvalue) =	ssetifvalue $0x7FFFFFFF  }
0x3c: {  	[tilespmem:s20], [sflag:$0x1] =	stream.indirect_vreg.gather [hbm4b:s3+s11], $0x1, v1, vm0, $0x4038;
	[tilespmem:$0x8800] =	vst v63  }
0x3d: {  	(ifvalue) =	ssetifvalue $0x7FFFFFFF;
	v1 =	vor.u32 $0x280, v0  }
0x3e: {  	s21 =	sadd.s32 $0x200, s18;
	(ifvalue) =	ssetifvalue $0x7FFFFFFF  }
0x3f: {  	[tilespmem:s21], [sflag:$0x1] =	stream.indirect_vreg.gather [hbm4b:s3+s11], $0x1, v2, vm0, $0x4038;
	[tilespmem:$0x8800] =	vst v63  }
0x40: {  	(ifvalue) =	ssetifvalue $0x7FFFFFFF;
	v2 =	vor.u32 $0x300, v0  }
0x41: {  	s22 =	sadd.s32 $0x280, s18;
	(ifvalue) =	ssetifvalue $0x7FFFFFFF  }
0x42: {  	[tilespmem:s22], [sflag:$0x1] =	stream.indirect_vreg.gather [hbm4b:s3+s11], $0x1, v1, vm0, $0x4038;
	[tilespmem:$0x8800] =	vst v63  }
0x43: {  	(ifvalue) =	ssetifvalue $0x7FFFFFFF;
	v1 =	vor.u32 $0x380, v0  }
0x44: {  	s16 =	sor.u32 s16, s16;
	s23 =	sadd.s32 $0x300, s18;
	(ifvalue) =	ssetifvalue $0x7FFFFFFF  }
0x45: {  	[tilespmem:s23], [sflag:$0x1] =	stream.indirect_vreg.gather [hbm4b:s3+s11], $0x1, v2, vm0, $0x4038;
	[tilespmem:$0x8800] =	vst v63  }
0x46: {  	s16 =	sor.u32 $0x380, s16;
	(ifvalue) =	ssetifvalue $0x7FFFFFFF;
	v2 =	vadd.s32 $0xF42400, v0  }
0x47: {  	s16 =	sadd.s32 s16, s15;
	(ifvalue) =	ssetifvalue $0x7FFFFFFF  }
0x48: {  	[tilespmem:s16], [sflag:$0x1] =	stream.indirect_vreg.gather [hbm4b:s3+s11], $0x1, v1, vm0, $0x4038;
	[tilespmem:$0x8800] =	vst v63  }
0x49: {  	(ifvalue) =	ssetifvalue $0x7FFFFFFF;
	v1 =	vadd.s32 $0xF42480, v0  }
0x4a: {  	s24 =	sadd.s32 $0x2000, s18;
	(ifvalue) =	ssetifvalue $0x7FFFFFFF  }
0x4b: {  	[tilespmem:s24], [sflag:$0x1] =	stream.indirect_vreg.gather [hbm4b:s3+s11], $0x1, v2, vm0, $0x4038;
	[tilespmem:$0x8800] =	vst v63  }
0x4c: {  	(ifvalue) =	ssetifvalue $0x7FFFFFFF;
	v2 =	vadd.s32 $0xF42500, v0  }
0x4d: {  	s25 =	sadd.s32 $0x2080, s18;
	(ifvalue) =	ssetifvalue $0x7FFFFFFF  }
0x4e: {  	[tilespmem:s25], [sflag:$0x1] =	stream.indirect_vreg.gather [hbm4b:s3+s11], $0x1, v1, vm0, $0x4038;
	[tilespmem:$0x8800] =	vst v63  }
0x4f: {  	(ifvalue) =	ssetifvalue $0x7FFFFFFF;
	v1 =	vadd.s32 $0xF42580, v0  }
0x50: {  	s26 =	sadd.s32 $0x2100, s18;
	(ifvalue) =	ssetifvalue $0x7FFFFFFF  }
0x51: {  	[tilespmem:s26], [sflag:$0x1] =	stream.indirect_vreg.gather [hbm4b:s3+s11], $0x1, v2, vm0, $0x4038;
	[tilespmem:$0x8800] =	vst v63  }
0x52: {  	(ifvalue) =	ssetifvalue $0x7FFFFFFF;
	v2 =	vadd.s32 $0xF42600, v0  }
0x53: {  	s28 =	sadd.s32 $0x2180, s18;
	(ifvalue) =	ssetifvalue $0x7FFFFFFF  }
0x54: {  	[tilespmem:s28], [sflag:$0x1] =	stream.indirect_vreg.gather [hbm4b:s3+s11], $0x1, v1, vm0, $0x4038;
	[tilespmem:$0x8800] =	vst v63  }
0x55: {  	(ifvalue) =	ssetifvalue $0x7FFFFFFF;
	v1 =	vadd.s32 $0xF42680, v0  }
0x56: {  	s29 =	sadd.s32 $0x2200, s18;
	(ifvalue) =	ssetifvalue $0x7FFFFFFF  }
0x57: {  	[tilespmem:s29], [sflag:$0x1] =	stream.indirect_vreg.gather [hbm4b:s3+s11], $0x1, v2, vm0, $0x4038;
	[tilespmem:$0x8800] =	vst v63  }
0x58: {  	(ifvalue) =	ssetifvalue $0x7FFFFFFF;
	v2 =	vadd.s32 $0xF42700, v0  }
0x59: {  	s30 =	sadd.s32 $0x2280, s18;
	(ifvalue) =	ssetifvalue $0x7FFFFFFF  }
0x5a: {  	[tilespmem:s30], [sflag:$0x1] =	stream.indirect_vreg.gather [hbm4b:s3+s11], $0x1, v1, vm0, $0x4038;
	[tilespmem:$0x8800] =	vst v63  }
0x5b: {  	v0 =	vadd.s32 $0xF42780, v0;
	(ifvalue) =	ssetifvalue $0x7FFFFFFF  }
0x5c: {  	s31 =	sadd.s32 $0x2300, s18;
	(ifvalue) =	ssetifvalue $0x7FFFFFFF  }
0x5d: {  	[tilespmem:s31], [sflag:$0x1] =	stream.indirect_vreg.gather [hbm4b:s3+s11], $0x1, v2, vm0, $0x4038;
	[tilespmem:$0x8800] =	vst v63  }
0x5e: {  	s17 =	sadd.s32 $0x10, s17;
	s19 =	sadd.s32 $0x2380, s18;
	(ifvalue) =	ssetifvalue $0x7FFFFFFF  }
0x5f: {  	s18 =	simm.s32 $0x80;
	s16 =	simm.s32 $0x10;
	(ifvalue) =	ssetifvalue $0x7FFFFFFF  }
.LBB2_3:
0x60: {  	[tilespmem:s19], [sflag:$0x1] =	stream.indirect_vreg.gather [hbm4b:s3+s11], $0x1, v0, vm0, $0x4038;
	[tilespmem:$0x8800] =	vst v63  }
0x61: {  	p1 =	sne.s32 s16, $0x3F0;
	s20 =	smov.u32 s16;
	s16 =	sadd.s32 $0x10, s16;
	v0 =	vld.msk [tilespmem:s17+$0x0 ss:$0x1], $0xffff  }
0x62: {  	(ifvalue) =	ssetifvalue $0x7FFFFFFF;
	_ =	sdelay $0x4  }
0x63: {  	vm1 =	vgt.s32 v0, $0x0  }
0x64: {  	v0 =	vnsel vm1, $0x0, v0  }
0x65: {  	v0 =	vmin.u32 v0, $0x1E847F  }
0x66: {  	v1 =	vshll.u32 v0, $0x3  }
0x67: {  	v0 =	vand.u32 $0x7F, v0;
	v1 =	vand.u32 $0xFFFC00, v1  }
0x68: {  	v0 =	vor.u32 v0, v1;
	_ =	sdelay $0x1  }
0x69: {  	s19 =	sand.u32 $0x1C00, s18  }
0x6a: {  	s21 =	sand.u32 $0x70, s20;
	s19 =	sadd.s32 s19, s15;
	v1 =	vor.u32 $0x80, v0  }
0x6b: {  	s19 =	sadd.s32 s21, s19;
	(ifvalue) =	ssetifvalue $0x7FFFFFFF  }
0x6c: {  	[tilespmem:s19], [sflag:$0x1] =	stream.indirect_vreg.gather [hbm4b:s3+s11], $0x1, v0, vm0, $0x4038;
	[tilespmem:$0x8800] =	vst v63  }
0x6d: {  	v2 =	vor.u32 $0x100, v0;
	(ifvalue) =	ssetifvalue $0x7FFFFFFF  }
0x6e: {  	s21 =	sadd.s32 $0x80, s19;
	(ifvalue) =	ssetifvalue $0x7FFFFFFF  }
0x6f: {  	[tilespmem:s21], [sflag:$0x1] =	stream.indirect_vreg.gather [hbm4b:s3+s11], $0x1, v1, vm0, $0x4038;
	[tilespmem:$0x8800] =	vst v63  }
0x70: {  	v1 =	vor.u32 $0x180, v0;
	(ifvalue) =	ssetifvalue $0x7FFFFFFF  }
0x71: {  	s21 =	sadd.s32 $0x100, s19;
	(ifvalue) =	ssetifvalue $0x7FFFFFFF  }
0x72: {  	[tilespmem:s21], [sflag:$0x1] =	stream.indirect_vreg.gather [hbm4b:s3+s11], $0x1, v2, vm0, $0x4038;
	[tilespmem:$0x8800] =	vst v63  }
0x73: {  	v2 =	vor.u32 $0x200, v0;
	(ifvalue) =	ssetifvalue $0x7FFFFFFF  }
0x74: {  	s21 =	sadd.s32 $0x180, s19;
	(ifvalue) =	ssetifvalue $0x7FFFFFFF  }
0x75: {  	[tilespmem:s21], [sflag:$0x1] =	stream.indirect_vreg.gather [hbm4b:s3+s11], $0x1, v1, vm0, $0x4038;
	[tilespmem:$0x8800] =	vst v63  }
0x76: {  	v1 =	vor.u32 $0x280, v0;
	(ifvalue) =	ssetifvalue $0x7FFFFFFF  }
0x77: {  	s21 =	sadd.s32 $0x200, s19;
	(ifvalue) =	ssetifvalue $0x7FFFFFFF  }
0x78: {  	[tilespmem:s21], [sflag:$0x1] =	stream.indirect_vreg.gather [hbm4b:s3+s11], $0x1, v2, vm0, $0x4038;
	[tilespmem:$0x8800] =	vst v63  }
0x79: {  	v2 =	vor.u32 $0x300, v0;
	(ifvalue) =	ssetifvalue $0x7FFFFFFF  }
0x7a: {  	s21 =	sadd.s32 $0x280, s19;
	(ifvalue) =	ssetifvalue $0x7FFFFFFF  }
0x7b: {  	[tilespmem:s21], [sflag:$0x1] =	stream.indirect_vreg.gather [hbm4b:s3+s11], $0x1, v1, vm0, $0x4038;
	[tilespmem:$0x8800] =	vst v63  }
0x7c: {  	v1 =	vor.u32 $0x380, v0;
	(ifvalue) =	ssetifvalue $0x7FFFFFFF  }
0x7d: {  	s20 =	sor.u32 s18, s20;
	s21 =	sadd.s32 $0x300, s19;
	(ifvalue) =	ssetifvalue $0x7FFFFFFF  }
0x7e: {  	[tilespmem:s21], [sflag:$0x1] =	stream.indirect_vreg.gather [hbm4b:s3+s11], $0x1, v2, vm0, $0x4038;
	[tilespmem:$0x8800] =	vst v63  }
0x7f: {  	s20 =	sor.u32 $0x380, s20;
	v2 =	vadd.s32 $0xF42400, v0;
	(ifvalue) =	ssetifvalue $0x7FFFFFFF  }
0x80: {  	s20 =	sadd.s32 s20, s15;
	(ifvalue) =	ssetifvalue $0x7FFFFFFF  }
0x81: {  	[tilespmem:s20], [sflag:$0x1] =	stream.indirect_vreg.gather [hbm4b:s3+s11], $0x1, v1, vm0, $0x4038;
	[tilespmem:$0x8800] =	vst v63  }
0x82: {  	v1 =	vadd.s32 $0xF42480, v0;
	(ifvalue) =	ssetifvalue $0x7FFFFFFF  }
0x83: {  	s20 =	sadd.s32 $0x2000, s19;
	(ifvalue) =	ssetifvalue $0x7FFFFFFF  }
0x84: {  	[tilespmem:s20], [sflag:$0x1] =	stream.indirect_vreg.gather [hbm4b:s3+s11], $0x1, v2, vm0, $0x4038;
	[tilespmem:$0x8800] =	vst v63  }
0x85: {  	v2 =	vadd.s32 $0xF42500, v0;
	(ifvalue) =	ssetifvalue $0x7FFFFFFF  }
0x86: {  	s20 =	sadd.s32 $0x2080, s19;
	(ifvalue) =	ssetifvalue $0x7FFFFFFF  }
0x87: {  	[tilespmem:s20], [sflag:$0x1] =	stream.indirect_vreg.gather [hbm4b:s3+s11], $0x1, v1, vm0, $0x4038;
	[tilespmem:$0x8800] =	vst v63  }
0x88: {  	v1 =	vadd.s32 $0xF42580, v0;
	(ifvalue) =	ssetifvalue $0x7FFFFFFF  }
0x89: {  	s20 =	sadd.s32 $0x2100, s19;
	(ifvalue) =	ssetifvalue $0x7FFFFFFF  }
0x8a: {  	[tilespmem:s20], [sflag:$0x1] =	stream.indirect_vreg.gather [hbm4b:s3+s11], $0x1, v2, vm0, $0x4038;
	[tilespmem:$0x8800] =	vst v63  }
0x8b: {  	v2 =	vadd.s32 $0xF42600, v0;
	(ifvalue) =	ssetifvalue $0x7FFFFFFF  }
0x8c: {  	s20 =	sadd.s32 $0x2180, s19;
	(ifvalue) =	ssetifvalue $0x7FFFFFFF  }
0x8d: {  	[tilespmem:s20], [sflag:$0x1] =	stream.indirect_vreg.gather [hbm4b:s3+s11], $0x1, v1, vm0, $0x4038;
	[tilespmem:$0x8800] =	vst v63  }
0x8e: {  	v1 =	vadd.s32 $0xF42680, v0;
	(ifvalue) =	ssetifvalue $0x7FFFFFFF  }
0x8f: {  	s20 =	sadd.s32 $0x2200, s19;
	(ifvalue) =	ssetifvalue $0x7FFFFFFF  }
0x90: {  	[tilespmem:s20], [sflag:$0x1] =	stream.indirect_vreg.gather [hbm4b:s3+s11], $0x1, v2, vm0, $0x4038;
	[tilespmem:$0x8800] =	vst v63  }
0x91: {  	v2 =	vadd.s32 $0xF42700, v0;
	(ifvalue) =	ssetifvalue $0x7FFFFFFF  }
0x92: {  	s20 =	sadd.s32 $0x2280, s19;
	(ifvalue) =	ssetifvalue $0x7FFFFFFF  }
0x93: {  	[tilespmem:s20], [sflag:$0x1] =	stream.indirect_vreg.gather [hbm4b:s3+s11], $0x1, v1, vm0, $0x4038;
	[tilespmem:$0x8800] =	vst v63  }
.Ltmp3:
0x94: {  	v0 =	vadd.s32 $0xF42780, v0;
	(ifvalue) =	ssetifvalue $0x7FFFFFFF;
	(pc) =	sbr.rel @p1 .LBB2_3-.Ltmp3, $4  }
0x95: {  	s20 =	sadd.s32 $0x2300, s19;
	(ifvalue) =	ssetifvalue $0x7FFFFFFF  }
0x96: {  	[tilespmem:s20], [sflag:$0x1] =	stream.indirect_vreg.gather [hbm4b:s3+s11], $0x1, v2, vm0, $0x4038;
	[tilespmem:$0x8800] =	vst v63  }
0x97: {  	s17 =	sadd.s32 $0x10, s17;
	(ifvalue) =	ssetifvalue $0x7FFFFFFF  }
0x98: {  	s18 =	sadd.s32 $0x80, s18;
	s19 =	sadd.s32 $0x2380, s19;
	(ifvalue) =	ssetifvalue $0x7FFFFFFF  }
.Ltmp4:
0x99: {  	_ = 	snop;
	(pc) =	sbr.rel .LBB2_4-.Ltmp4, $1  }
0x9a: {  	_ =	sdelay $0x3  }
.LBB2_6:
0x9b: {  	_ =	sfence.sel $0x180000  }
0x9c: {  	s2 =	simm.s32 $0x2;
	[bflag:$0x0] =	sbarrier.arrive $0xFFFF  }
0x9d: {  	s30 =	simm.s32 $0x3;
	[sflag:s2] =	ssyncpa.u1 $0x1  }
0x9e: {  	s31 =	simm.s32 $0x1;
	[sflag:s30] =	ssyncpa.u1 $0x1  }
0x9f: {  	[sflag:s31] =	ssyncpa.u1 $0x1  }
0xa0: {  	p0 =	sne.s32 s0, $0x0;
	_ =	strace $0x9000004A  }
0xa1: {  	s0 =	sadd.s32 @!p0 $0x100000, s1;
	[bflag:$0x2] =	sbarrier.arrive $0xFFFF  }
0xa2: {  	[sflag:s0] =	ssyncadd.tile.s32 @!p0 $0x1;
	_ =	shalt  }
.Lfunc_end2:
_tile_overlayer_lowered:
.L_overlay_start_2:
0xa3: {  	(tag) =	ssettag $0x2  }
0xa4: {  	s0 =	rddreg [dreg:$0x0];
	s2 =	stileid.u32  }
0xa5: {  	s1 =	rddreg [dreg:$0x1];
	p0 =	sne.s32 s2, $0x0  }
0xa6: {  	s3 =	rddreg [dreg:$0x2];
	[bflag:$0x3] =	sbarrier.arrive $0xFFFF;
	s2 =	simm.s32 @!p0 $0x1C01  }
0xa7: {  	[timem:s3], [sflag:s2] =	dma.local @!p0 [hbm:s0], s1  }
0xa8: {  	s0 =	simm.s32 @!p0 $0x1  }
0xa9: {  	_ =	swait.ge @!p0 [sflag:s0], s1  }
0xaa: {  	s1 =	ssub.s32 @!p0 $0x0, s1;
	[sflag:s0] =	ssyncset.done @!p0 $0x0  }
0xab: {  	[sflag:s0] =	ssyncadd.s32 @!p0 s1  }
0xac: {  	[bflag:$0x3] =	sbarrier.arrive $0xFFFF  }
0xad: {  	_ =	shalt  }

// kernel: sparse-core-data-format-call.cloned.1.call-start
scs
called_computation_lowered:
.L_overlay_start_0:
0x0: {  	s1 =	sld [smem:$0x3FD9]  }
0x1: {  	s2 =	sld [smem:$0x3FFE];
	_ =	sdelay $0x1  }
0x2: {  	s3 =	srdreg.scid  }
0x3: {  	s0 =	sand.u32 $0x1, s3  }
0x4: {  	s17 =	sshll.u32 s0, $0xA;
	s1 =	sadd.s32 s2, s1  }
0x5: {  	s1 =	sadd.s32 s1, s17  }
0x6: {  	[smem:$0x3FC7] =	sst s1  }
0x7: {  	_ = 	snop  }
0x8: {  	(tm) =	ssettm $0x1  }
0x9: {  	s18 =	sld [smem:$0x3FFB];
	_ =	sdelay $0x3  }
0xa: {  	_ =	strace s18  }
0xb: {  	s1 =	sld [smem:$0x3FFC];
	_ =	sdelay $0x3  }
0xc: {  	_ =	strace s1  }
0xd: {  	s1 =	sld [smem:$0x3FFD];
	_ =	sdelay $0x3  }
0xe: {  	_ =	strace s1  }
0xf: {  	_ =	strace $0x8FFFFFFF  }
0x10: {  	s19 =	sld [smem:$0x3FDB];
	_ =	sdelay $0x1  }
0x11: {  	s20 =	simm.s32 $_scs_section_size  }
0x12: {  	s4 =	simm.s32 $_size__tile_overlayer_lowered;
	s5 =	simm.s32 $_tile_overlayer_lowered  }
0x13: {  	s23 =	simm.s32 $0x1BFF;
	s22 =	sshll.u32 s5, $0x1;
	s1 =	sadd.s32 s20, s19  }
0x14: {  	s6 =	simm.s32 $0x0;
	s21 =	sshll.u32 s4, $0x1;
	s4 =	sadd.s32 s22, s1  }
0x15: {  	[timem:s6], [sflag:s23] =	dma.local [hbm:s4], s21  }
0x16: {  	_ =	swait.ge [sflag:s23], s21  }
0x17: {  	s2 =	ssub.s32 $0x0, s21;
	[sflag:s23] =	ssyncset.done $0x0  }
0x18: {  	[sflag:s23] =	ssyncadd.s32 s2;
	_ =	sdelay $0x1  }
0x19: {  	s24 =	simm.s32 $0x1B8B  }
0x1a: {  	_ =	swait.ge [sflag:s24], $0x1  }
0x1b: {  	[sflag:s24] =	ssyncset.done $0x0  }
0x1c: {  	s26 =	simm.s32 $0x1B8E;
	s25 =	sld [smem:$0x3FFE];
	[sflag:s24] =	ssyncadd.s32 $0xFFFFFFFF  }
0x1d: {  	s27 =	simm.s32 $execute0_lowered;
	[smem:$0x3FD2] =	sst s26  }
0x1e: {  	s4 =	sshll.u32 s27, $0x1;
	_ =	strace $0x80000046;
	[dreg:$0x1] =	wrdreg $0xFFFFFFFF  }
0x1f: {  	s28 =	simm.s32 $_size_execute0_lowered;
	s1 =	sadd.s32 s1, s4;
	[dreg:$0x0] =	wrdreg $0x0  }
0x20: {  	s4 =	sshll.u32 s28, $0x1;
	[dreg:$0x2] =	wrdreg s1  }
0x21: {  	[dreg:$0x3] =	wrdreg s4  }
0x22: {  	[dreg:$0x4] =	wrdreg $0xC0  }
0x23: {  	_ =	task [dreg:s6], $0x5FFFF  }
0x24: {  	[dreg:$0x1] =	wrdreg $0xFFFFFFFF  }
0x25: {  	[dreg:$0x0] =	wrdreg $0x60  }
0x26: {  	[dreg:$0x2] =	wrdreg s25  }
0x27: {  	[dreg:$0x3] =	wrdreg $0x9  }
0x28: {  	_ =	task.clear_ibuf [dreg:s6], $0x4FFFF;
	_ =	strace $0x90000046  }
0x29: {  	s29 =	simm.s32 $0x9;
	_ =	strace $0x80000048  }
0x2a: {  	_ =	swait.ge [sflag:s29], $0x1  }
0x2b: {  	[sflag:s29] =	ssyncadd.s32 $0xFFFFFFFF  }
0x2c: {  	_ =	strace $0x90000048  }
0x2d: {  	_ =	sfence  }
0x2e: {  	s30 =	sld [smem:$0x0];
	_ =	sdelay $0x2  }
0x2f: {  	s31 =	sshll.u32 s3, $0xD;
	s3 =	sshrl.u32 s3, $0x2  }
0x30: {  	s2 =	sand.u32 $0x4000, s31;
	s1 =	sadd.s32 s3, s30  }
0x31: {  	s0 =	sor.u32 s2, s0;
	s1 =	sshll.u32 s1, $0x11  }
0x32: {  	s0 =	sor.u32 s1, s0  }
0x33: {  	s0 =	sadd.s32 $0x8F2B, s0  }
0x34: {  	[sflag:s0] =	ssyncadd.remote.s32 $0x1  }
0x35: {  	_ =	sfence.sel $0xFFFF  }
0x36: {  	[dreg:$0x0] =	wrdreg $0xFFFFFFFF;
	(pc) =	sbr.abs _section_cstart, $3  }
0x37: {  	[dreg:$0x1] =	wrdreg $0xFFFFFFFF  }
0x38: {  	_ =	task.clear_ibuf [dreg:s6], $0x2FFFF;
	_ =	strace $0x9FFFFFFF  }
0x39: {  	(tm) =	ssettm $0x7FFFFFFF  }
tec
execute0_lowered:
.L_overlay_start_1:
0x0: {  	(tag) =	ssettag $0x1  }
0x1: {  	s0 =	srdreg.scid  }
0x2: {  	s1 =	sshll.u32 s0, $0x4  }
0x3: {  	s4 =	rddreg [dreg:$0x0];
	s0 =	stileid.u32;
	s1 =	sand.u32 $0x10, s1  }
0x4: {  	s7 =	simm.s32 $0x1;
	s8 =	simm.s32 $0x2;
	s1 =	sor.u32 s0, s1  }
0x5: {  	s11 =	simm.s32 $0x0;
	s3 =	sadd.s32 $0xE00, s4;
	s2 =	sshll.u32 s1, $0x7  }
0x6: {  	s10 =	simm.s32 $0x0;
	s4 =	sadd.s32 $0x1E85600, s4;
	s6 =	ssub.s32 $0x1E8480, s2  }
.Ltmp0:
0x7: {  	s1 =	rddreg [dreg:$0x1];
	s5 =	sand.u32 $0xF80, s6;
	(pc) =	sbr.rel .LBB1_1-.Ltmp0, $4  }
0x8: {  	_ =	strace $0x80000047;
	s9 =	smov.u32 s2;
	p0 =	sne.s32 s5, $0x0  }
0x9: {  	s6 =	sshrl.u32 s6, $0xC;
	s5 =	simm.s32 $0x1;
	s7 =	simm.s32 @!p0 $0x0  }
0xa: {  	[sflag:s5] =	ssyncpa.u1 $0x0;
	p0 =	por $0x0, $0x0;
	s6 =	sadd.s32 s7, s6  }
0xb: {  	[sflag:s8] =	ssyncpa.u1 $0x0;
	s8 =	simm.s32 $0xF42400;
	s7 =	sadd.s32 $0x1, s6  }
.LBB1_4:
0xc: {  	s14 =	sshll.u32 s11, $0x3  }
0xd: {  	s30 =	sand.u32 $0x7F, s11;
	s14 =	sand.u32 $0xFFFFFC00, s14  }
0xe: {  	s11 =	sor.u32 s30, s14  }
0xf: {  	s15 =	smulhi.u32 $0x431BDE83, s11;
	_ =	sdelay $0x1  }
0x10: {  	s14 =	smulhi.u32 $0x431BDE83, s14;
	s15 =	sshrl.u32 s15, $0x13  }
0x11: {  	s15 =	smul.u32 $0x1E8480, s15  }
0x12: {  	[tilespmem:s12+$0xFFFFFFFC ss:$0x81] =	vst.msk $0xffff, v2;
	s14 =	sshrl.u32 s14, $0x13  }
0x13: {  	[tilespmem:s12+$0xFFFFFFFD ss:$0x81] =	vst.msk $0xffff, v3;
	s14 =	sand.u32 $0xF, s14;
	s11 =	ssub.s32 s11, s15  }
0x14: {  	[tilespmem:s12+$0xFFFFFFFE ss:$0x81] =	vst.msk $0xffff, v0;
	s14 =	smul.u32 $0x3D090, s14;
	s15 =	sshrl.u32 s11, $0x3;
	s11 =	sand.u32 $0x7, s11  }
0x15: {  	[tilespmem:s12+$0xFFFFFFFF ss:$0x81] =	vst.msk $0xffff, v4;
	s15 =	sadd.s32 s4, s15;
	s11 =	sshll.u32 s11, $0x12  }
0x16: {  	[tilespmem:s12+$0xFFFFFFF9 ss:$0x81] =	vst.msk $0xffff, v1;
	s31 =	sadd.s32 s14, s15;
	s11 =	sor.u32 $0x400, s11  }
0x17: {  	[hbm4b:s31+s11] =	stream.strided.scatter [tilespmem:s13], [sflag:$0x2], $0x800, s8, s11, $0x20;
	[tilespmem:$0x2020] =	vst v63  }
.LBB1_5:
0x18: {  	s13 =	sadd.s32 $0x1000, s9  }
0x19: {  	p2 =	sgt.s32 s13, $0x1E847F  }
0x1a: {  	s13 =	smov.u32 @p2 s2;
	p2 =	sne.s32 s10, s7  }
.Ltmp1:
0x1b: {  	p1 =	slt.u32 s10, $0x2;
	(pc) =	sbr.rel @!p2 .LBB1_6-.Ltmp1, $4  }
0x1c: {  	s12 =	simm.s32 @!p1 $0x2  }
0x1d: {  	s14 =	sadd.s32 $0x1, s10;
	_ =	swait.ge @!p1 [sflag:s12], $0x800  }
0x1e: {  	s11 =	smov.u32 s9;
	p0 =	por !p0, !p0;
	[sflag:s12] =	ssyncset.done @!p1 $0x0  }
0x1f: {  	s10 =	smov.u32 s14;
	s9 =	smov.u32 s13;
	[sflag:s12] =	ssyncadd.s32 @!p1 $0xFFFFF800  }
.LBB1_1:
0x20: {  	p1 =	sge.u32 s10, s6  }
0x21: {  	s12 =	sand.u32 @!p1 $0x1FFFFFF, s9  }
0x22: {  	s13 =	smulhi.u32 @!p1 $0x218DEF5, s12;
	_ =	sdelay $0x1  }
0x23: {  	s13 =	sshrl.u32 @!p1 s13, $0xE  }
0x24: {  	s13 =	smul.u32 @!p1 $0x1E8480, s13;
	_ =	sdelay $0x1  }
0x25: {  	s31 =	sadd.s32 $0xFFFFFFFF, s10;
	s14 =	sxor.u32 @!p1 $0xFFFFFFFF, s10;
	s12 =	ssub.s32 @!p1 s12, s13  }
0x26: {  	s15 =	simm.s32 @!p1 $0x80;
	s14 =	sshll.u32 @!p1 s14, $0xB;
	s12 =	sshll.u32 @!p1 s12, $0x4  }
0x27: {  	s13 =	sand.u32 @!p1 $0x800, s14;
	s14 =	simm.s32 @!p1 $0x10;
	s12 =	sadd.s32 @!p1 s3, s12  }
0x28: {  	[tilespmem:s13], [sflag:$0x1] =	stream.strided.gather @!p1 [hbm4b:s12+s14], $0x800, s15, s14, $0x38;
	[tilespmem:$0x2020] =	vst v63  }
0x29: {  	p1 =	sge.u32 s31, s6  }
.Ltmp2:
0x2a: {  	_ = 	snop;
	(pc) =	sbr.rel @p1 .LBB1_5-.Ltmp2, $1  }
0x2b: {  	_ =	sdelay $0x3  }
0x2c: {  	s12 =	simm.s32 $0x1  }
0x2d: {  	_ =	swait.ge [sflag:s5], $0x800;
	s12 =	simm.s32 @!p0 $0x0  }
0x2e: {  	[sflag:s5] =	ssyncset.done $0x0;
	s13 =	sshll.u32 s12, $0xB  }
0x2f: {  	[sflag:s5] =	ssyncadd.s32 $0xFFFFF800;
	s15 =	sor.u32 $0x40, s13  }
0x30: {  	v1 =	vld [tilespmem:s15+$0x30]  }
0x31: {  	s12 =	smul.u32 $0x2040, s12;
	v4 =	vld [tilespmem:s15+$0xFFFFFFD0]  }
0x32: {  	v5 =	vld [tilespmem:s15+$0xFFFFFFE0]  }
0x33: {  	s31 =	sand.u32 $0x1, s10;
	s12 =	sshrl.u32 s12, $0x2;
	v2 =	vld [tilespmem:s15+$0xFFFFFFF0]  }
0x34: {  	s13 =	smul.u32 $0x2040, s31;
	v3 =	vld [tilespmem:s15+$0x0];
	s12 =	sor.u32 $0x1007, s12  }
0x35: {  	v0 =	vld [tilespmem:s15+$0x10];
	[tilespmem:s12+$0x0 ss:$0x81] =	vst.msk $0xffff, v1  }
0x36: {  	s13 =	sshrl.u32 s13, $0x2;
	[tilespmem:s12+$0xFFFFFFFA ss:$0x81] =	vst.msk $0xffff, v4;
	v4 =	vld [tilespmem:s15+$0x20]  }
0x37: {  	s14 =	simm.s32 $0x0;
	s13 =	sor.u32 $0x1000, s13;
	v1 =	vld [tilespmem:s15+$0xFFFFFFC0];
	[tilespmem:s12+$0xFFFFFFFB ss:$0x81] =	vst.msk $0xffff, v5;
	s15 =	sadd.s32 $0x80, s15  }
.LBB1_3:
0x38: {  	v5 =	vld [tilespmem:s15+$0x30];
	s14 =	sadd.s32 $0x8, s14;
	[tilespmem:s12+$0xFFFFFFFC ss:$0x81] =	vst.msk $0xffff, v2  }
0x39: {  	v6 =	vld [tilespmem:s15+$0xFFFFFFD0];
	p1 =	slt.u32 s14, $0x78;
	[tilespmem:s12+$0xFFFFFFFD ss:$0x81] =	vst.msk $0xffff, v3  }
0x3a: {  	v7 =	vld [tilespmem:s15+$0xFFFFFFE0];
	[tilespmem:s12+$0xFFFFFFFE ss:$0x81] =	vst.msk $0xffff, v0  }
.Ltmp3:
0x3b: {  	v2 =	vld [tilespmem:s15+$0xFFFFFFF0];
	[tilespmem:s12+$0xFFFFFFFF ss:$0x81] =	vst.msk $0xffff, v4;
	(pc) =	sbr.rel @p1 .LBB1_3-.Ltmp3, $4  }
0x3c: {  	v3 =	vld [tilespmem:s15+$0x0];
	[tilespmem:s12+$0xFFFFFFF9 ss:$0x81] =	vst.msk $0xffff, v1;
	s12 =	sadd.s32 $0x8, s12  }
0x3d: {  	v0 =	vld [tilespmem:s15+$0x10];
	[tilespmem:s12+$0x0 ss:$0x81] =	vst.msk $0xffff, v5  }
0x3e: {  	[tilespmem:s12+$0xFFFFFFFA ss:$0x81] =	vst.msk $0xffff, v6;
	v4 =	vld [tilespmem:s15+$0x20]  }
0x3f: {  	v1 =	vld [tilespmem:s15+$0xFFFFFFC0];
	[tilespmem:s12+$0xFFFFFFFB ss:$0x81] =	vst.msk $0xffff, v7;
	s15 =	sadd.s32 $0x80, s15  }
.Ltmp4:
0x40: {  	_ = 	snop;
	(pc) =	sbr.rel .LBB1_4-.Ltmp4, $1  }
0x41: {  	_ =	sdelay $0x3  }
.LBB1_6:
0x42: {  	_ =	sfence.sel $0x180000  }
0x43: {  	s2 =	simm.s32 $0x1;
	[bflag:$0x0] =	sbarrier.arrive $0xFFFF  }
0x44: {  	s31 =	simm.s32 $0x2;
	[sflag:s2] =	ssyncpa.u1 $0x1  }
0x45: {  	[sflag:s31] =	ssyncpa.u1 $0x1  }
0x46: {  	p0 =	sne.s32 s0, $0x0;
	_ =	strace $0x90000047  }
0x47: {  	s0 =	sadd.s32 @!p0 $0x100000, s1;
	[bflag:$0x2] =	sbarrier.arrive $0xFFFF  }
0x48: {  	[sflag:s0] =	ssyncadd.tile.s32 @!p0 $0x1;
	_ =	shalt  }
.Lfunc_end1:
_tile_overlayer_lowered:
.L_overlay_start_2:
0x49: {  	(tag) =	ssettag $0x2  }
0x4a: {  	s0 =	rddreg [dreg:$0x0];
	s2 =	stileid.u32  }
0x4b: {  	s1 =	rddreg [dreg:$0x1];
	p0 =	sne.s32 s2, $0x0  }
0x4c: {  	s3 =	rddreg [dreg:$0x2];
	[bflag:$0x3] =	sbarrier.arrive $0xFFFF;
	s2 =	simm.s32 @!p0 $0x1C01  }
0x4d: {  	[timem:s3], [sflag:s2] =	dma.local @!p0 [hbm:s0], s1  }
0x4e: {  	s0 =	simm.s32 @!p0 $0x1  }
0x4f: {  	_ =	swait.ge @!p0 [sflag:s0], s1  }
0x50: {  	s1 =	ssub.s32 @!p0 $0x0, s1;
	[sflag:s0] =	ssyncset.done @!p0 $0x0  }
0x51: {  	[sflag:s0] =	ssyncadd.s32 @!p0 s1  }
0x52: {  	[bflag:$0x3] =	sbarrier.arrive $0xFFFF  }
0x53: {  	_ =	shalt  }

</sc_bundles>
